<compile_context>
chip_gen: v7x
topology: tpu7x:2x2x1
jax: 0.10.2.dev20260603
libtpu: 0.0.44.dev20260713+nightly
codegen_flags: <defaults>
</compile_context>

<pallas_src>
import functools

import jax
import jax.numpy as jnp
from jax import lax
from jax.experimental import pallas as pl
from jax.experimental.pallas import tpu as pltpu
from jax.experimental.pallas import tpu_sc as plsc

D = 64
LANES = 16
VPR = D // LANES
NC, NS = 2, 16
NW = NC * NS
CHUNK = 512
SUB = 128
NSUB = CHUNK // SUB
EPS = 1e-5


def _rsqrt(x):
    i = lax.bitcast_convert_type(x, jnp.int32)
    y = lax.bitcast_convert_type(jnp.int32(0x5F3759DF) - (i >> 1), jnp.float32)
    for _ in range(3):
        y = y * (1.5 - 0.5 * x * y * y)
    return y


def _make_sc_kernel(n_rows):
    per_w = n_rows // NW
    n_chunks = per_w // CHUNK
    idx_rows = per_w // SUB
    mesh = plsc.VectorSubcoreMesh(core_axis_name="c", subcore_axis_name="s")

    @functools.partial(
        pl.kernel,
        mesh=mesh,
        out_type=jax.ShapeDtypeStruct((n_rows, D), jnp.float32),
        compiler_params=pltpu.CompilerParams(use_tc_tiling_on_sc=False),
        scratch_types=[
            pltpu.VMEM((idx_rows, SUB), jnp.int32),
            pltpu.VMEM((2, CHUNK, D), jnp.float32),
            pltpu.VMEM((2, D), jnp.float32),
            pltpu.SemaphoreType.DMA,
            pltpu.SemaphoreType.DMA,
        ],
    )
    def sc_kernel(idx_hbm, table_hbm, gamma_hbm, beta_hbm, out_hbm,
                  idx_v, rows_v, gb_v, gsem, osem):
        w = lax.axis_index("s") * NC + lax.axis_index("c")
        pltpu.sync_copy(gamma_hbm, gb_v.at[0])
        pltpu.sync_copy(beta_hbm, gb_v.at[1])
        g = [gb_v[0, pl.ds(j * LANES, LANES)] for j in range(VPR)]
        b = [gb_v[1, pl.ds(j * LANES, LANES)] for j in range(VPR)]
        base = w * per_w
        pltpu.sync_copy(
            idx_hbm.at[pl.ds(pl.multiple_of(w * idx_rows, 8), idx_rows)],
            idx_v)

        def fire_gather(c, par):
            for s in range(NSUB):
                pltpu.async_copy(
                    table_hbm.at[idx_v.at[c * NSUB + s]],
                    rows_v.at[par, pl.ds(s * SUB, SUB)],
                    gsem,
                )

        lanes = lax.iota(jnp.int32, LANES)
        dnums = lax.GatherDimensionNumbers(
            offset_dims=(), collapsed_slice_dims=(0,), start_index_map=(0,))

        def permute(x, idx):
            return lax.gather(
                x, idx[:, None], dnums, (1,),
                mode=lax.GatherScatterMode.PROMISE_IN_BOUNDS)

        def hsum(x):
            for k in (8, 4, 2, 1):
                x = x + permute(x, lanes ^ k)
            return x

        fire_gather(0, 0)

        def do_chunk(c, carry):
            par = c & 1
            pltpu.make_async_copy(
                out_hbm.at[pl.ds(0, CHUNK)], rows_v.at[par], gsem).wait()

            @pl.when(c + 1 < n_chunks)
            def _():
                @pl.when(c > 0)
                def _():
                    pltpu.make_async_copy(
                        rows_v.at[1 - par],
                        out_hbm.at[pl.ds(0, CHUNK)], osem).wait()

                fire_gather(c + 1, 1 - par)

            def do_row(r, rc):
                v = [rows_v[par, r, pl.ds(j * LANES, LANES)]
                     for j in range(VPR)]
                s0 = (v[0] + v[1]) + (v[2] + v[3])
                sq = (v[0] * v[0] + v[1] * v[1]) + (v[2] * v[2] + v[3] * v[3])
                mean = hsum(s0) * (1.0 / D)
                msq = hsum(sq) * (1.0 / D)
                var = msq - mean * mean
                scale = _rsqrt(var + EPS)
                for j in range(VPR):
                    rows_v[par, r, pl.ds(j * LANES, LANES)] = (
                        (v[j] - mean) * (scale * g[j]) + b[j])
                return rc

            lax.fori_loop(0, CHUNK, do_row, 0, unroll=4)

            pltpu.async_copy(
                rows_v.at[par],
                out_hbm.at[pl.ds(base + c * CHUNK, CHUNK)], osem)
            return carry

        lax.fori_loop(0, n_chunks, do_chunk, 0)
        for p in range(2):
            pltpu.make_async_copy(
                rows_v.at[p],
                out_hbm.at[pl.ds(0, CHUNK)], osem).wait()

    return sc_kernel


@jax.jit
def kernel(idx, table, gamma, beta):
    B, L = idx.shape
    n_rows = B * L
    idx2d = idx.reshape(n_rows // SUB, SUB).astype(jnp.int32)
    out = _make_sc_kernel(n_rows)(idx2d, table, gamma, beta)
    return out.reshape(B, L, D)

# --- scband reference (transcript-rebuilt; emitter-appended) ---
"""Pipeline reference for scband-gene-idemb-62723702391326 (READ-ONLY COPY).

The authoritative reference and input builder live on the scoring server;
editing this copy changes nothing except your own understanding.
"""

import jax, jax.numpy as jnp
import numpy as np

N_TOKEN = 1000000
EMB_DIM = 64
B = 4096
L = 200


def setup_inputs(seed: int = 0) -> dict:
    key = jax.random.key(seed)
    k_idx, k_tab = jax.random.split(key)
    idx = jax.random.randint(k_idx, (B, L), 0, N_TOKEN, dtype=jnp.int64) if jax.config.jax_enable_x64 else jax.random.randint(k_idx, (B, L), 0, N_TOKEN, dtype=jnp.int32)
    table = jax.random.normal(k_tab, (N_TOKEN, EMB_DIM), dtype=jnp.float32)
    gamma = jnp.ones((EMB_DIM,), dtype=jnp.float32)
    beta = jnp.zeros((EMB_DIM,), dtype=jnp.float32)
    return {"idx": idx, "table": table, "gamma": gamma, "beta": beta}


def _layernorm(x, gamma, beta, eps=1e-5):
    mean = jnp.mean(x, axis=-1, keepdims=True)
    var = jnp.mean((x - mean) ** 2, axis=-1, keepdims=True)
    xhat = (x - mean) / jnp.sqrt(var + eps)
    return xhat * gamma + beta


def reference(idx, table, gamma, beta):
    emb = jnp.take(table, idx, axis=0)
    out = _layernorm(emb, gamma, beta)
    return out

if __name__ == "__main__":
    import jax
    _d = setup_inputs()
    print(jax.jit(kernel)(*tuple(_d.values())))

</pallas_src>

<mosaic_0001>
#map = affine_map<(d0, d1) -> (0, 0)>
#map1 = affine_map<(d0, d1) -> (0)>
module attributes {stable_mosaic.version = 14 : i64} {
  func.func @sc_kernel(%arg0: i32, %arg1: i32, %arg2: memref<6400x128xi32, #tpu.memory_space<hbm>>, %arg3: memref<1000000x64xf32, #tpu.memory_space<hbm>>, %arg4: memref<64xf32, #tpu.memory_space<hbm>>, %arg5: memref<64xf32, #tpu.memory_space<hbm>>, %arg6: memref<819200x64xf32, #tpu.memory_space<hbm>>, %arg7: memref<200x128xi32, #tpu.memory_space<vmem>>, %arg8: memref<2x512x64xf32, #tpu.memory_space<vmem>>, %arg9: memref<2x64xf32, #tpu.memory_space<vmem>>, %arg10: memref<!tpu.dma_semaphore, #tpu.memory_space<semaphore_mem>>, %arg11: memref<!tpu.dma_semaphore, #tpu.memory_space<semaphore_mem>>) attributes {dimension_semantics = [#tpu.dimension_semantics<core_parallel>, #tpu.dimension_semantics<subcore_parallel>], iteration_bounds = array<i64: 2, 16>, scalar_prefetch = 0 : i64, scratch_operands = 5 : i64, tpu.core_type = #tpu.core_type<sc_vector_subcore>, window_params = [{transform_indices = #map}, {transform_indices = #map}, {transform_indices = #map1}, {transform_indices = #map1}, {transform_indices = #map}]} {
    %mul3A = arith.constant 2 : i32
    %mul3A_0 = arith.muli %arg1, %mul3A : i32
    %add3A = arith.addi %mul3A_0, %arg0 : i32
    %run_scoped3A = arith.constant 0 : i32
    "tpu.region"() ({
      %run_scoped3A_126 = tpu.sem_alloc : memref<!tpu.dma_semaphore, #tpu.memory_space<semaphore_mem>>
      %dma_start3A_127 = arith.constant 0 : i32
      %dma_start3A_128 = tpu.memref_slice %arg9[%run_scoped3A, %dma_start3A_127] : memref<2x64xf32, #tpu.memory_space<vmem>> -> memref<1x64xf32, #tpu.memory_space<vmem>>
      %dma_start3A_129 = tpu.memref_squeeze %dma_start3A_128 : memref<1x64xf32, #tpu.memory_space<vmem>> -> memref<64xf32, #tpu.memory_space<vmem>>
      %dma_start3A_130 = arith.constant 0 : i32
      %dma_start3A_131 = tpu.memref_slice %arg9[%run_scoped3A, %dma_start3A_130] : memref<2x64xf32, #tpu.memory_space<vmem>> -> memref<1x64xf32, #tpu.memory_space<vmem>>
      %dma_start3A_132 = tpu.memref_squeeze %dma_start3A_131 : memref<1x64xf32, #tpu.memory_space<vmem>> -> memref<64xf32, #tpu.memory_space<vmem>>
      tpu.enqueue_dma source(%arg4 : memref<64xf32, #tpu.memory_space<hbm>>) target(%dma_start3A_132 : memref<64xf32, #tpu.memory_space<vmem>>) target_semaphore(%run_scoped3A_126 : memref<!tpu.dma_semaphore, #tpu.memory_space<semaphore_mem>>)
      %dma_wait3A_133 = arith.constant 0 : i32
      %dma_wait3A_134 = tpu.memref_slice %arg9[%run_scoped3A, %dma_wait3A_133] : memref<2x64xf32, #tpu.memory_space<vmem>> -> memref<1x64xf32, #tpu.memory_space<vmem>>
      %dma_wait3A_135 = tpu.memref_squeeze %dma_wait3A_134 : memref<1x64xf32, #tpu.memory_space<vmem>> -> memref<64xf32, #tpu.memory_space<vmem>>
      %dma_wait3A_136 = arith.constant 0 : i32
      %dma_wait3A_137 = tpu.memref_slice %arg9[%run_scoped3A, %dma_wait3A_136] : memref<2x64xf32, #tpu.memory_space<vmem>> -> memref<1x64xf32, #tpu.memory_space<vmem>>
      %dma_wait3A_138 = tpu.memref_squeeze %dma_wait3A_137 : memref<1x64xf32, #tpu.memory_space<vmem>> -> memref<64xf32, #tpu.memory_space<vmem>>
      tpu.wait_dma2 semaphore(%run_scoped3A_126 : memref<!tpu.dma_semaphore, #tpu.memory_space<semaphore_mem>>) src(%arg4 : memref<64xf32, #tpu.memory_space<hbm>>) dst(%dma_wait3A_138 : memref<64xf32, #tpu.memory_space<vmem>>)
      tpu.yield
    }) : () -> ()
    %run_scoped3A_1 = arith.constant 1 : i32
    "tpu.region"() ({
      %run_scoped3A_126 = tpu.sem_alloc : memref<!tpu.dma_semaphore, #tpu.memory_space<semaphore_mem>>
      %dma_start3A_127 = arith.constant 0 : i32
      %dma_start3A_128 = tpu.memref_slice %arg9[%run_scoped3A_1, %dma_start3A_127] : memref<2x64xf32, #tpu.memory_space<vmem>> -> memref<1x64xf32, #tpu.memory_space<vmem>>
      %dma_start3A_129 = tpu.memref_squeeze %dma_start3A_128 : memref<1x64xf32, #tpu.memory_space<vmem>> -> memref<64xf32, #tpu.memory_space<vmem>>
      %dma_start3A_130 = arith.constant 0 : i32
      %dma_start3A_131 = tpu.memref_slice %arg9[%run_scoped3A_1, %dma_start3A_130] : memref<2x64xf32, #tpu.memory_space<vmem>> -> memref<1x64xf32, #tpu.memory_space<vmem>>
      %dma_start3A_132 = tpu.memref_squeeze %dma_start3A_131 : memref<1x64xf32, #tpu.memory_space<vmem>> -> memref<64xf32, #tpu.memory_space<vmem>>
      tpu.enqueue_dma source(%arg5 : memref<64xf32, #tpu.memory_space<hbm>>) target(%dma_start3A_132 : memref<64xf32, #tpu.memory_space<vmem>>) target_semaphore(%run_scoped3A_126 : memref<!tpu.dma_semaphore, #tpu.memory_space<semaphore_mem>>)
      %dma_wait3A_133 = arith.constant 0 : i32
      %dma_wait3A_134 = tpu.memref_slice %arg9[%run_scoped3A_1, %dma_wait3A_133] : memref<2x64xf32, #tpu.memory_space<vmem>> -> memref<1x64xf32, #tpu.memory_space<vmem>>
      %dma_wait3A_135 = tpu.memref_squeeze %dma_wait3A_134 : memref<1x64xf32, #tpu.memory_space<vmem>> -> memref<64xf32, #tpu.memory_space<vmem>>
      %dma_wait3A_136 = arith.constant 0 : i32
      %dma_wait3A_137 = tpu.memref_slice %arg9[%run_scoped3A_1, %dma_wait3A_136] : memref<2x64xf32, #tpu.memory_space<vmem>> -> memref<1x64xf32, #tpu.memory_space<vmem>>
      %dma_wait3A_138 = tpu.memref_squeeze %dma_wait3A_137 : memref<1x64xf32, #tpu.memory_space<vmem>> -> memref<64xf32, #tpu.memory_space<vmem>>
      tpu.wait_dma2 semaphore(%run_scoped3A_126 : memref<!tpu.dma_semaphore, #tpu.memory_space<semaphore_mem>>) src(%arg5 : memref<64xf32, #tpu.memory_space<hbm>>) dst(%dma_wait3A_138 : memref<64xf32, #tpu.memory_space<vmem>>)
      tpu.yield
    }) : () -> ()
    %get3A = arith.constant 0 : i32
    %get3A_2 = arith.index_cast %get3A : i32 to index
    %get3A_3 = arith.constant 0 : index
    %get3A_4 = tpu.vector_load %arg9[%get3A_2, %get3A_3] {strides = array<i32>} : memref<2x64xf32, #tpu.memory_space<vmem>>, vector<1x16xf32>,
    %get3A_5 = vector.shape_cast %get3A_4 : vector<1x16xf32> to vector<16xf32>
    %get3A_6 = arith.constant 0 : i32
    %get3A_7 = arith.index_cast %get3A_6 : i32 to index
    %get3A_8 = arith.constant 16 : index
    %get3A_9 = tpu.vector_load %arg9[%get3A_7, %get3A_8] {strides = array<i32>} : memref<2x64xf32, #tpu.memory_space<vmem>>, vector<1x16xf32>,
    %get3A_10 = vector.shape_cast %get3A_9 : vector<1x16xf32> to vector<16xf32>
    %get3A_11 = arith.constant 0 : i32
    %get3A_12 = arith.index_cast %get3A_11 : i32 to index
    %get3A_13 = arith.constant 32 : index
    %get3A_14 = tpu.vector_load %arg9[%get3A_12, %get3A_13] {strides = array<i32>} : memref<2x64xf32, #tpu.memory_space<vmem>>, vector<1x16xf32>,
    %get3A_15 = vector.shape_cast %get3A_14 : vector<1x16xf32> to vector<16xf32>
    %get3A_16 = arith.constant 0 : i32
    %get3A_17 = arith.index_cast %get3A_16 : i32 to index
    %get3A_18 = arith.constant 48 : index
    %get3A_19 = tpu.vector_load %arg9[%get3A_17, %get3A_18] {strides = array<i32>} : memref<2x64xf32, #tpu.memory_space<vmem>>, vector<1x16xf32>,
    %get3A_20 = vector.shape_cast %get3A_19 : vector<1x16xf32> to vector<16xf32>
    %get3A_21 = arith.constant 1 : i32
    %get3A_22 = arith.index_cast %get3A_21 : i32 to index
    %get3A_23 = arith.constant 0 : index
    %get3A_24 = tpu.vector_load %arg9[%get3A_22, %get3A_23] {strides = array<i32>} : memref<2x64xf32, #tpu.memory_space<vmem>>, vector<1x16xf32>,
    %get3A_25 = vector.shape_cast %get3A_24 : vector<1x16xf32> to vector<16xf32>
    %get3A_26 = arith.constant 1 : i32
    %get3A_27 = arith.index_cast %get3A_26 : i32 to index
    %get3A_28 = arith.constant 16 : index
    %get3A_29 = tpu.vector_load %arg9[%get3A_27, %get3A_28] {strides = array<i32>} : memref<2x64xf32, #tpu.memory_space<vmem>>, vector<1x16xf32>,
    %get3A_30 = vector.shape_cast %get3A_29 : vector<1x16xf32> to vector<16xf32>
    %get3A_31 = arith.constant 1 : i32
    %get3A_32 = arith.index_cast %get3A_31 : i32 to index
    %get3A_33 = arith.constant 32 : index
    %get3A_34 = tpu.vector_load %arg9[%get3A_32, %get3A_33] {strides = array<i32>} : memref<2x64xf32, #tpu.memory_space<vmem>>, vector<1x16xf32>,
    %get3A_35 = vector.shape_cast %get3A_34 : vector<1x16xf32> to vector<16xf32>
    %get3A_36 = arith.constant 1 : i32
    %get3A_37 = arith.index_cast %get3A_36 : i32 to index
    %get3A_38 = arith.constant 48 : index
    %get3A_39 = tpu.vector_load %arg9[%get3A_37, %get3A_38] {strides = array<i32>} : memref<2x64xf32, #tpu.memory_space<vmem>>, vector<1x16xf32>,
    %get3A_40 = vector.shape_cast %get3A_39 : vector<1x16xf32> to vector<16xf32>
    %mul3A_41 = arith.constant 25600 : i32
    %mul3A_42 = arith.muli %add3A, %mul3A_41 : i32
    %mul3A_43 = arith.constant 200 : i32
    %mul3A_44 = arith.muli %add3A, %mul3A_43 : i32
    %multiple_of3A = tpu.assume_multiple %mul3A_44, 8 : i32
    "tpu.region"() ({
      %run_scoped3A_126 = tpu.sem_alloc : memref<!tpu.dma_semaphore, #tpu.memory_space<semaphore_mem>>
      %dma_start3A_127 = arith.constant 0 : i32
      %dma_start3A_128 = tpu.memref_slice %arg2[%multiple_of3A, %dma_start3A_127] : memref<6400x128xi32, #tpu.memory_space<hbm>> -> memref<200x128xi32, #tpu.memory_space<hbm>>
      %dma_start3A_129 = arith.constant 0 : i32
      %dma_start3A_130 = tpu.memref_slice %arg2[%multiple_of3A, %dma_start3A_129] : memref<6400x128xi32, #tpu.memory_space<hbm>> -> memref<200x128xi32, #tpu.memory_space<hbm>>
      tpu.enqueue_dma source(%dma_start3A_130 : memref<200x128xi32, #tpu.memory_space<hbm>>) target(%arg7 : memref<200x128xi32, #tpu.memory_space<vmem>>) target_semaphore(%run_scoped3A_126 : memref<!tpu.dma_semaphore, #tpu.memory_space<semaphore_mem>>)
      %dma_wait3A_131 = arith.constant 0 : i32
      %dma_wait3A_132 = tpu.memref_slice %arg2[%multiple_of3A, %dma_wait3A_131] : memref<6400x128xi32, #tpu.memory_space<hbm>> -> memref<200x128xi32, #tpu.memory_space<hbm>>
      %dma_wait3A_133 = arith.constant 0 : i32
      %dma_wait3A_134 = tpu.memref_slice %arg2[%multiple_of3A, %dma_wait3A_133] : memref<6400x128xi32, #tpu.memory_space<hbm>> -> memref<200x128xi32, #tpu.memory_space<hbm>>
      tpu.wait_dma2 semaphore(%run_scoped3A_126 : memref<!tpu.dma_semaphore, #tpu.memory_space<semaphore_mem>>) src(%dma_wait3A_134 : memref<200x128xi32, #tpu.memory_space<hbm>>) dst(%arg7 : memref<200x128xi32, #tpu.memory_space<vmem>>)
      tpu.yield
    }) : () -> ()
    %iota3A = tpu.iota {dimensions = array<i32: 0>} : vector<16xi32>
    %dma_start3A = arith.constant 0 : i32
    %dma_start3A_45 = arith.constant 0 : i32
    %dma_start3A_46 = arith.constant 0 : i32
    %dma_start3A_47 = arith.constant 0 : i32
    %dma_start3A_48 = tpu.memref_slice %arg8[%dma_start3A_45, %dma_start3A_46, %dma_start3A_47] : memref<2x512x64xf32, #tpu.memory_space<vmem>> -> memref<1x128x64xf32, #tpu.memory_space<vmem>>
    %dma_start3A_49 = tpu.memref_squeeze %dma_start3A_48 : memref<1x128x64xf32, #tpu.memory_space<vmem>> -> memref<128x64xf32, #tpu.memory_space<vmem>>
    %dma_start3A_50 = arith.constant 0 : i32
    %dma_start3A_51 = tpu.memref_slice %arg7[%dma_start3A, %dma_start3A_50] : memref<200x128xi32, #tpu.memory_space<vmem>> -> memref<1x128xi32, #tpu.memory_space<vmem>>
    %dma_start3A_52 = tpu.memref_squeeze %dma_start3A_51 : memref<1x128xi32, #tpu.memory_space<vmem>> -> memref<128xi32, #tpu.memory_space<vmem>>
    %dma_start3A_53 = arith.constant 0 : i32
    %dma_start3A_54 = arith.constant 0 : i32
    %dma_start3A_55 = tpu.memref_slice %arg3[%dma_start3A_53, %dma_start3A_54] : memref<1000000x64xf32, #tpu.memory_space<hbm>> -> memref<1000000x64xf32, #tpu.memory_space<hbm>>
    tpu.enqueue_indirect_dma source(%dma_start3A_55 : memref<1000000x64xf32, #tpu.memory_space<hbm>>) target(%dma_start3A_49 : memref<128x64xf32, #tpu.memory_space<vmem>>) offsets(%dma_start3A_52 : memref<128xi32, #tpu.memory_space<vmem>>) semaphore(%arg10 : memref<!tpu.dma_semaphore, #tpu.memory_space<semaphore_mem>>)
    %dma_start3A_56 = arith.constant 1 : i32
    %dma_start3A_57 = arith.constant 0 : i32
    %dma_start3A_58 = arith.constant 128 : i32
    %dma_start3A_59 = arith.constant 0 : i32
    %dma_start3A_60 = tpu.memref_slice %arg8[%dma_start3A_57, %dma_start3A_58, %dma_start3A_59] : memref<2x512x64xf32, #tpu.memory_space<vmem>> -> memref<1x128x64xf32, #tpu.memory_space<vmem>>
    %dma_start3A_61 = tpu.memref_squeeze %dma_start3A_60 : memref<1x128x64xf32, #tpu.memory_space<vmem>> -> memref<128x64xf32, #tpu.memory_space<vmem>>
    %dma_start3A_62 = arith.constant 0 : i32
    %dma_start3A_63 = tpu.memref_slice %arg7[%dma_start3A_56, %dma_start3A_62] : memref<200x128xi32, #tpu.memory_space<vmem>> -> memref<1x128xi32, #tpu.memory_space<vmem>>
    %dma_start3A_64 = tpu.memref_squeeze %dma_start3A_63 : memref<1x128xi32, #tpu.memory_space<vmem>> -> memref<128xi32, #tpu.memory_space<vmem>>
    %dma_start3A_65 = arith.constant 0 : i32
    %dma_start3A_66 = arith.constant 0 : i32
    %dma_start3A_67 = tpu.memref_slice %arg3[%dma_start3A_65, %dma_start3A_66] : memref<1000000x64xf32, #tpu.memory_space<hbm>> -> memref<1000000x64xf32, #tpu.memory_space<hbm>>
    tpu.enqueue_indirect_dma source(%dma_start3A_67 : memref<1000000x64xf32, #tpu.memory_space<hbm>>) target(%dma_start3A_61 : memref<128x64xf32, #tpu.memory_space<vmem>>) offsets(%dma_start3A_64 : memref<128xi32, #tpu.memory_space<vmem>>) semaphore(%arg10 : memref<!tpu.dma_semaphore, #tpu.memory_space<semaphore_mem>>)
    %dma_start3A_68 = arith.constant 2 : i32
    %dma_start3A_69 = arith.constant 0 : i32
    %dma_start3A_70 = arith.constant 256 : i32
    %dma_start3A_71 = arith.constant 0 : i32
    %dma_start3A_72 = tpu.memref_slice %arg8[%dma_start3A_69, %dma_start3A_70, %dma_start3A_71] : memref<2x512x64xf32, #tpu.memory_space<vmem>> -> memref<1x128x64xf32, #tpu.memory_space<vmem>>
    %dma_start3A_73 = tpu.memref_squeeze %dma_start3A_72 : memref<1x128x64xf32, #tpu.memory_space<vmem>> -> memref<128x64xf32, #tpu.memory_space<vmem>>
    %dma_start3A_74 = arith.constant 0 : i32
    %dma_start3A_75 = tpu.memref_slice %arg7[%dma_start3A_68, %dma_start3A_74] : memref<200x128xi32, #tpu.memory_space<vmem>> -> memref<1x128xi32, #tpu.memory_space<vmem>>
    %dma_start3A_76 = tpu.memref_squeeze %dma_start3A_75 : memref<1x128xi32, #tpu.memory_space<vmem>> -> memref<128xi32, #tpu.memory_space<vmem>>
    %dma_start3A_77 = arith.constant 0 : i32
    %dma_start3A_78 = arith.constant 0 : i32
    %dma_start3A_79 = tpu.memref_slice %arg3[%dma_start3A_77, %dma_start3A_78] : memref<1000000x64xf32, #tpu.memory_space<hbm>> -> memref<1000000x64xf32, #tpu.memory_space<hbm>>
    tpu.enqueue_indirect_dma source(%dma_start3A_79 : memref<1000000x64xf32, #tpu.memory_space<hbm>>) target(%dma_start3A_73 : memref<128x64xf32, #tpu.memory_space<vmem>>) offsets(%dma_start3A_76 : memref<128xi32, #tpu.memory_space<vmem>>) semaphore(%arg10 : memref<!tpu.dma_semaphore, #tpu.memory_space<semaphore_mem>>)
    %dma_start3A_80 = arith.constant 3 : i32
    %dma_start3A_81 = arith.constant 0 : i32
    %dma_start3A_82 = arith.constant 384 : i32
    %dma_start3A_83 = arith.constant 0 : i32
    %dma_start3A_84 = tpu.memref_slice %arg8[%dma_start3A_81, %dma_start3A_82, %dma_start3A_83] : memref<2x512x64xf32, #tpu.memory_space<vmem>> -> memref<1x128x64xf32, #tpu.memory_space<vmem>>
    %dma_start3A_85 = tpu.memref_squeeze %dma_start3A_84 : memref<1x128x64xf32, #tpu.memory_space<vmem>> -> memref<128x64xf32, #tpu.memory_space<vmem>>
    %dma_start3A_86 = arith.constant 0 : i32
    %dma_start3A_87 = tpu.memref_slice %arg7[%dma_start3A_80, %dma_start3A_86] : memref<200x128xi32, #tpu.memory_space<vmem>> -> memref<1x128xi32, #tpu.memory_space<vmem>>
    %dma_start3A_88 = tpu.memref_squeeze %dma_start3A_87 : memref<1x128xi32, #tpu.memory_space<vmem>> -> memref<128xi32, #tpu.memory_space<vmem>>
    %dma_start3A_89 = arith.constant 0 : i32
    %dma_start3A_90 = arith.constant 0 : i32
    %dma_start3A_91 = tpu.memref_slice %arg3[%dma_start3A_89, %dma_start3A_90] : memref<1000000x64xf32, #tpu.memory_space<hbm>> -> memref<1000000x64xf32, #tpu.memory_space<hbm>>
    tpu.enqueue_indirect_dma source(%dma_start3A_91 : memref<1000000x64xf32, #tpu.memory_space<hbm>>) target(%dma_start3A_85 : memref<128x64xf32, #tpu.memory_space<vmem>>) offsets(%dma_start3A_88 : memref<128xi32, #tpu.memory_space<vmem>>) semaphore(%arg10 : memref<!tpu.dma_semaphore, #tpu.memory_space<semaphore_mem>>)
    %scan3A = arith.constant 0 : i32
    %scan3A_92 = arith.constant 0 : i32
    %scan3A_93 = arith.constant 50 : i32
    %scan3A_94 = arith.addi %scan3A_92, %scan3A_93 : i32
    %scan3A_95 = arith.constant 1 : i32
    scf.for %scan3A_126 = %scan3A_92 to %scan3A_94 step %scan3A_95  : i32 {
      %and3A = arith.constant 1 : i32
      %and3A_127 = arith.andi %scan3A_126, %and3A : i32
      %dma_wait3A_128 = arith.constant 0 : i32
      %dma_wait3A_129 = arith.constant 0 : i32
      %dma_wait3A_130 = tpu.memref_slice %arg8[%and3A_127, %dma_wait3A_128, %dma_wait3A_129] : memref<2x512x64xf32, #tpu.memory_space<vmem>> -> memref<1x512x64xf32, #tpu.memory_space<vmem>>
      %dma_wait3A_131 = tpu.memref_squeeze %dma_wait3A_130 : memref<1x512x64xf32, #tpu.memory_space<vmem>> -> memref<512x64xf32, #tpu.memory_space<vmem>>
      %dma_wait3A_132 = arith.constant 0 : i32
      %dma_wait3A_133 = arith.constant 0 : i32
      %dma_wait3A_134 = tpu.memref_slice %arg6[%dma_wait3A_132, %dma_wait3A_133] : memref<819200x64xf32, #tpu.memory_space<hbm>> -> memref<512x64xf32, #tpu.memory_space<hbm>>
      %dma_wait3A_135 = arith.constant 0 : i32
      %dma_wait3A_136 = arith.constant 0 : i32
      %dma_wait3A_137 = tpu.memref_slice %arg8[%and3A_127, %dma_wait3A_135, %dma_wait3A_136] : memref<2x512x64xf32, #tpu.memory_space<vmem>> -> memref<1x512x64xf32, #tpu.memory_space<vmem>>
      %dma_wait3A_138 = tpu.memref_squeeze %dma_wait3A_137 : memref<1x512x64xf32, #tpu.memory_space<vmem>> -> memref<512x64xf32, #tpu.memory_space<vmem>>
      %dma_wait3A_139 = arith.constant 0 : i32
      %dma_wait3A_140 = arith.constant 0 : i32
      %dma_wait3A_141 = tpu.memref_slice %arg6[%dma_wait3A_139, %dma_wait3A_140] : memref<819200x64xf32, #tpu.memory_space<hbm>> -> memref<512x64xf32, #tpu.memory_space<hbm>>
      tpu.wait_dma2 semaphore(%arg10 : memref<!tpu.dma_semaphore, #tpu.memory_space<semaphore_mem>>) src(%dma_wait3A_141 : memref<512x64xf32, #tpu.memory_space<hbm>>) dst(%dma_wait3A_138 : memref<512x64xf32, #tpu.memory_space<vmem>>)
      %add3A_142 = arith.constant 1 : i32
      %add3A_143 = arith.addi %scan3A_126, %add3A_142 : i32
      %lt3A = arith.constant 50 : i32
      %lt3A_144 = arith.cmpi slt, %add3A_143, %lt3A : i32
      %convert_element_type3A = arith.extui %lt3A_144 : i1 to i32
      %cond3A = arith.constant 0 : i32
      %cond3A_145 = arith.cmpi ne, %convert_element_type3A, %cond3A : i32
      scf.if %cond3A_145 {
        %gt3A = arith.constant 0 : i32
        %gt3A_167 = arith.cmpi sgt, %scan3A_126, %gt3A : i32
        %convert_element_type3A_168 = arith.extui %gt3A_167 : i1 to i32
        %cond3A_169 = arith.constant 0 : i32
        %cond3A_170 = arith.cmpi ne, %convert_element_type3A_168, %cond3A_169 : i32
        scf.if %cond3A_170 {
          %sub3A_230 = arith.constant 1 : i32
          %sub3A_231 = arith.subi %sub3A_230, %and3A_127 : i32
          %dma_wait3A_232 = arith.constant 0 : i32
          %dma_wait3A_233 = arith.constant 0 : i32
          %dma_wait3A_234 = tpu.memref_slice %arg8[%sub3A_231, %dma_wait3A_232, %dma_wait3A_233] : memref<2x512x64xf32, #tpu.memory_space<vmem>> -> memref<1x512x64xf32, #tpu.memory_space<vmem>>
          %dma_wait3A_235 = tpu.memref_squeeze %dma_wait3A_234 : memref<1x512x64xf32, #tpu.memory_space<vmem>> -> memref<512x64xf32, #tpu.memory_space<vmem>>
          %dma_wait3A_236 = arith.constant 0 : i32
          %dma_wait3A_237 = arith.constant 0 : i32
          %dma_wait3A_238 = tpu.memref_slice %arg6[%dma_wait3A_236, %dma_wait3A_237] : memref<819200x64xf32, #tpu.memory_space<hbm>> -> memref<512x64xf32, #tpu.memory_space<hbm>>
          %dma_wait3A_239 = arith.constant 0 : i32
          %dma_wait3A_240 = arith.constant 0 : i32
          %dma_wait3A_241 = tpu.memref_slice %arg6[%dma_wait3A_239, %dma_wait3A_240] : memref<819200x64xf32, #tpu.memory_space<hbm>> -> memref<512x64xf32, #tpu.memory_space<hbm>>
          %dma_wait3A_242 = arith.constant 0 : i32
          %dma_wait3A_243 = arith.constant 0 : i32
          %dma_wait3A_244 = tpu.memref_slice %arg8[%sub3A_231, %dma_wait3A_242, %dma_wait3A_243] : memref<2x512x64xf32, #tpu.memory_space<vmem>> -> memref<1x512x64xf32, #tpu.memory_space<vmem>>
          %dma_wait3A_245 = tpu.memref_squeeze %dma_wait3A_244 : memref<1x512x64xf32, #tpu.memory_space<vmem>> -> memref<512x64xf32, #tpu.memory_space<vmem>>
          tpu.wait_dma2 semaphore(%arg11 : memref<!tpu.dma_semaphore, #tpu.memory_space<semaphore_mem>>) src(%dma_wait3A_245 : memref<512x64xf32, #tpu.memory_space<vmem>>) dst(%dma_wait3A_241 : memref<512x64xf32, #tpu.memory_space<hbm>>)
        } else {
        }
        %add3A_171 = arith.constant 1 : i32
        %add3A_172 = arith.addi %scan3A_126, %add3A_171 : i32
        %sub3A = arith.constant 1 : i32
        %sub3A_173 = arith.subi %sub3A, %and3A_127 : i32
        %mul3A_174 = arith.constant 4 : i32
        %mul3A_175 = arith.muli %add3A_172, %mul3A_174 : i32
        %add3A_176 = arith.constant 0 : i32
        %add3A_177 = arith.addi %mul3A_175, %add3A_176 : i32
        %dma_start3A_178 = arith.constant 0 : i32
        %dma_start3A_179 = arith.constant 0 : i32
        %dma_start3A_180 = tpu.memref_slice %arg8[%sub3A_173, %dma_start3A_178, %dma_start3A_179] : memref<2x512x64xf32, #tpu.memory_space<vmem>> -> memref<1x128x64xf32, #tpu.memory_space<vmem>>
        %dma_start3A_181 = tpu.memref_squeeze %dma_start3A_180 : memref<1x128x64xf32, #tpu.memory_space<vmem>> -> memref<128x64xf32, #tpu.memory_space<vmem>>
        %dma_start3A_182 = arith.constant 0 : i32
        %dma_start3A_183 = tpu.memref_slice %arg7[%add3A_177, %dma_start3A_182] : memref<200x128xi32, #tpu.memory_space<vmem>> -> memref<1x128xi32, #tpu.memory_space<vmem>>
        %dma_start3A_184 = tpu.memref_squeeze %dma_start3A_183 : memref<1x128xi32, #tpu.memory_space<vmem>> -> memref<128xi32, #tpu.memory_space<vmem>>
        %dma_start3A_185 = arith.constant 0 : i32
        %dma_start3A_186 = arith.constant 0 : i32
        %dma_start3A_187 = tpu.memref_slice %arg3[%dma_start3A_185, %dma_start3A_186] : memref<1000000x64xf32, #tpu.memory_space<hbm>> -> memref<1000000x64xf32, #tpu.memory_space<hbm>>
        tpu.enqueue_indirect_dma source(%dma_start3A_187 : memref<1000000x64xf32, #tpu.memory_space<hbm>>) target(%dma_start3A_181 : memref<128x64xf32, #tpu.memory_space<vmem>>) offsets(%dma_start3A_184 : memref<128xi32, #tpu.memory_space<vmem>>) semaphore(%arg10 : memref<!tpu.dma_semaphore, #tpu.memory_space<semaphore_mem>>)
        %mul3A_188 = arith.constant 4 : i32
        %mul3A_189 = arith.muli %add3A_172, %mul3A_188 : i32
        %add3A_190 = arith.constant 1 : i32
        %add3A_191 = arith.addi %mul3A_189, %add3A_190 : i32
        %dma_start3A_192 = arith.constant 128 : i32
        %dma_start3A_193 = arith.constant 0 : i32
        %dma_start3A_194 = tpu.memref_slice %arg8[%sub3A_173, %dma_start3A_192, %dma_start3A_193] : memref<2x512x64xf32, #tpu.memory_space<vmem>> -> memref<1x128x64xf32, #tpu.memory_space<vmem>>
        %dma_start3A_195 = tpu.memref_squeeze %dma_start3A_194 : memref<1x128x64xf32, #tpu.memory_space<vmem>> -> memref<128x64xf32, #tpu.memory_space<vmem>>
        %dma_start3A_196 = arith.constant 0 : i32
        %dma_start3A_197 = tpu.memref_slice %arg7[%add3A_191, %dma_start3A_196] : memref<200x128xi32, #tpu.memory_space<vmem>> -> memref<1x128xi32, #tpu.memory_space<vmem>>
        %dma_start3A_198 = tpu.memref_squeeze %dma_start3A_197 : memref<1x128xi32, #tpu.memory_space<vmem>> -> memref<128xi32, #tpu.memory_space<vmem>>
        %dma_start3A_199 = arith.constant 0 : i32
        %dma_start3A_200 = arith.constant 0 : i32
        %dma_start3A_201 = tpu.memref_slice %arg3[%dma_start3A_199, %dma_start3A_200] : memref<1000000x64xf32, #tpu.memory_space<hbm>> -> memref<1000000x64xf32, #tpu.memory_space<hbm>>
        tpu.enqueue_indirect_dma source(%dma_start3A_201 : memref<1000000x64xf32, #tpu.memory_space<hbm>>) target(%dma_start3A_195 : memref<128x64xf32, #tpu.memory_space<vmem>>) offsets(%dma_start3A_198 : memref<128xi32, #tpu.memory_space<vmem>>) semaphore(%arg10 : memref<!tpu.dma_semaphore, #tpu.memory_space<semaphore_mem>>)
        %mul3A_202 = arith.constant 4 : i32
        %mul3A_203 = arith.muli %add3A_172, %mul3A_202 : i32
        %add3A_204 = arith.constant 2 : i32
        %add3A_205 = arith.addi %mul3A_203, %add3A_204 : i32
        %dma_start3A_206 = arith.constant 256 : i32
        %dma_start3A_207 = arith.constant 0 : i32
        %dma_start3A_208 = tpu.memref_slice %arg8[%sub3A_173, %dma_start3A_206, %dma_start3A_207] : memref<2x512x64xf32, #tpu.memory_space<vmem>> -> memref<1x128x64xf32, #tpu.memory_space<vmem>>
        %dma_start3A_209 = tpu.memref_squeeze %dma_start3A_208 : memref<1x128x64xf32, #tpu.memory_space<vmem>> -> memref<128x64xf32, #tpu.memory_space<vmem>>
        %dma_start3A_210 = arith.constant 0 : i32
        %dma_start3A_211 = tpu.memref_slice %arg7[%add3A_205, %dma_start3A_210] : memref<200x128xi32, #tpu.memory_space<vmem>> -> memref<1x128xi32, #tpu.memory_space<vmem>>
        %dma_start3A_212 = tpu.memref_squeeze %dma_start3A_211 : memref<1x128xi32, #tpu.memory_space<vmem>> -> memref<128xi32, #tpu.memory_space<vmem>>
        %dma_start3A_213 = arith.constant 0 : i32
        %dma_start3A_214 = arith.constant 0 : i32
        %dma_start3A_215 = tpu.memref_slice %arg3[%dma_start3A_213, %dma_start3A_214] : memref<1000000x64xf32, #tpu.memory_space<hbm>> -> memref<1000000x64xf32, #tpu.memory_space<hbm>>
        tpu.enqueue_indirect_dma source(%dma_start3A_215 : memref<1000000x64xf32, #tpu.memory_space<hbm>>) target(%dma_start3A_209 : memref<128x64xf32, #tpu.memory_space<vmem>>) offsets(%dma_start3A_212 : memref<128xi32, #tpu.memory_space<vmem>>) semaphore(%arg10 : memref<!tpu.dma_semaphore, #tpu.memory_space<semaphore_mem>>)
        %mul3A_216 = arith.constant 4 : i32
        %mul3A_217 = arith.muli %add3A_172, %mul3A_216 : i32
        %add3A_218 = arith.constant 3 : i32
        %add3A_219 = arith.addi %mul3A_217, %add3A_218 : i32
        %dma_start3A_220 = arith.constant 384 : i32
        %dma_start3A_221 = arith.constant 0 : i32
        %dma_start3A_222 = tpu.memref_slice %arg8[%sub3A_173, %dma_start3A_220, %dma_start3A_221] : memref<2x512x64xf32, #tpu.memory_space<vmem>> -> memref<1x128x64xf32, #tpu.memory_space<vmem>>
        %dma_start3A_223 = tpu.memref_squeeze %dma_start3A_222 : memref<1x128x64xf32, #tpu.memory_space<vmem>> -> memref<128x64xf32, #tpu.memory_space<vmem>>
        %dma_start3A_224 = arith.constant 0 : i32
        %dma_start3A_225 = tpu.memref_slice %arg7[%add3A_219, %dma_start3A_224] : memref<200x128xi32, #tpu.memory_space<vmem>> -> memref<1x128xi32, #tpu.memory_space<vmem>>
        %dma_start3A_226 = tpu.memref_squeeze %dma_start3A_225 : memref<1x128xi32, #tpu.memory_space<vmem>> -> memref<128xi32, #tpu.memory_space<vmem>>
        %dma_start3A_227 = arith.constant 0 : i32
        %dma_start3A_228 = arith.constant 0 : i32
        %dma_start3A_229 = tpu.memref_slice %arg3[%dma_start3A_227, %dma_start3A_228] : memref<1000000x64xf32, #tpu.memory_space<hbm>> -> memref<1000000x64xf32, #tpu.memory_space<hbm>>
        tpu.enqueue_indirect_dma source(%dma_start3A_229 : memref<1000000x64xf32, #tpu.memory_space<hbm>>) target(%dma_start3A_223 : memref<128x64xf32, #tpu.memory_space<vmem>>) offsets(%dma_start3A_226 : memref<128xi32, #tpu.memory_space<vmem>>) semaphore(%arg10 : memref<!tpu.dma_semaphore, #tpu.memory_space<semaphore_mem>>)
      } else {
      }
      %scan3A_146 = arith.constant 0 : i32
      %scan3A_147 = arith.constant 0 : i32
      %scan3A_148 = arith.constant 512 : i32
      %scan3A_149 = arith.addi %scan3A_147, %scan3A_148 : i32
      %scan3A_150 = arith.constant 4 : i32
      scf.for %scan3A_167 = %scan3A_147 to %scan3A_149 step %scan3A_150  : i32 {
        %get3A_168 = arith.index_cast %and3A_127 : i32 to index
        %get3A_169 = arith.index_cast %scan3A_167 : i32 to index
        %get3A_170 = arith.constant 0 : index
        %get3A_171 = tpu.vector_load %arg8[%get3A_168, %get3A_169, %get3A_170] {strides = array<i32>} : memref<2x512x64xf32, #tpu.memory_space<vmem>>, vector<1x1x16xf32>,
        %get3A_172 = vector.shape_cast %get3A_171 : vector<1x1x16xf32> to vector<16xf32>
        %get3A_173 = arith.index_cast %and3A_127 : i32 to index
        %get3A_174 = arith.index_cast %scan3A_167 : i32 to index
        %get3A_175 = arith.constant 16 : index
        %get3A_176 = tpu.vector_load %arg8[%get3A_173, %get3A_174, %get3A_175] {strides = array<i32>} : memref<2x512x64xf32, #tpu.memory_space<vmem>>, vector<1x1x16xf32>,
        %get3A_177 = vector.shape_cast %get3A_176 : vector<1x1x16xf32> to vector<16xf32>
        %get3A_178 = arith.index_cast %and3A_127 : i32 to index
        %get3A_179 = arith.index_cast %scan3A_167 : i32 to index
        %get3A_180 = arith.constant 32 : index
        %get3A_181 = tpu.vector_load %arg8[%get3A_178, %get3A_179, %get3A_180] {strides = array<i32>} : memref<2x512x64xf32, #tpu.memory_space<vmem>>, vector<1x1x16xf32>,
        %get3A_182 = vector.shape_cast %get3A_181 : vector<1x1x16xf32> to vector<16xf32>
        %get3A_183 = arith.index_cast %and3A_127 : i32 to index
        %get3A_184 = arith.index_cast %scan3A_167 : i32 to index
        %get3A_185 = arith.constant 48 : index
        %get3A_186 = tpu.vector_load %arg8[%get3A_183, %get3A_184, %get3A_185] {strides = array<i32>} : memref<2x512x64xf32, #tpu.memory_space<vmem>>, vector<1x1x16xf32>,
        %get3A_187 = vector.shape_cast %get3A_186 : vector<1x1x16xf32> to vector<16xf32>
        %add3A_188 = arith.addf %get3A_172, %get3A_177 : vector<16xf32>
        %add3A_189 = arith.addf %get3A_182, %get3A_187 : vector<16xf32>
        %add3A_190 = arith.addf %add3A_188, %add3A_189 : vector<16xf32>
        %mul3A_191 = arith.mulf %get3A_172, %get3A_172 : vector<16xf32>
        %mul3A_192 = arith.mulf %get3A_177, %get3A_177 : vector<16xf32>
        %add3A_193 = arith.addf %mul3A_191, %mul3A_192 : vector<16xf32>
        %mul3A_194 = arith.mulf %get3A_182, %get3A_182 : vector<16xf32>
        %mul3A_195 = arith.mulf %get3A_187, %get3A_187 : vector<16xf32>
        %add3A_196 = arith.addf %mul3A_194, %mul3A_195 : vector<16xf32>
        %add3A_197 = arith.addf %add3A_193, %add3A_196 : vector<16xf32>
        %xor3A = arith.constant 8 : i32
        %xor3A_198 = vector.broadcast %xor3A : i32 to vector<16xi32>
        %xor3A_199 = arith.xori %iota3A, %xor3A_198 : vector<16xi32>
        %broadcast_in_dim3A = vector.shape_cast %xor3A_199 : vector<16xi32> to vector<16x1xi32>
        %gather3A = vector.shape_cast %broadcast_in_dim3A : vector<16x1xi32> to vector<16xi32>
        %gather3A_200 = tpu.dynamic_gather %add3A_190[%gather3A] in [0] : vector<16xf32>, vector<16xi32> -> vector<16xf32>
        %add3A_201 = arith.addf %add3A_190, %gather3A_200 : vector<16xf32>
        %xor3A_202 = arith.constant 4 : i32
        %xor3A_203 = vector.broadcast %xor3A_202 : i32 to vector<16xi32>
        %xor3A_204 = arith.xori %iota3A, %xor3A_203 : vector<16xi32>
        %broadcast_in_dim3A_205 = vector.shape_cast %xor3A_204 : vector<16xi32> to vector<16x1xi32>
        %gather3A_206 = vector.shape_cast %broadcast_in_dim3A_205 : vector<16x1xi32> to vector<16xi32>
        %gather3A_207 = tpu.dynamic_gather %add3A_201[%gather3A_206] in [0] : vector<16xf32>, vector<16xi32> -> vector<16xf32>
        %add3A_208 = arith.addf %add3A_201, %gather3A_207 : vector<16xf32>
        %xor3A_209 = arith.constant 2 : i32
        %xor3A_210 = vector.broadcast %xor3A_209 : i32 to vector<16xi32>
        %xor3A_211 = arith.xori %iota3A, %xor3A_210 : vector<16xi32>
        %broadcast_in_dim3A_212 = vector.shape_cast %xor3A_211 : vector<16xi32> to vector<16x1xi32>
        %gather3A_213 = vector.shape_cast %broadcast_in_dim3A_212 : vector<16x1xi32> to vector<16xi32>
        %gather3A_214 = tpu.dynamic_gather %add3A_208[%gather3A_213] in [0] : vector<16xf32>, vector<16xi32> -> vector<16xf32>
        %add3A_215 = arith.addf %add3A_208, %gather3A_214 : vector<16xf32>
        %xor3A_216 = arith.constant 1 : i32
        %xor3A_217 = vector.broadcast %xor3A_216 : i32 to vector<16xi32>
        %xor3A_218 = arith.xori %iota3A, %xor3A_217 : vector<16xi32>
        %broadcast_in_dim3A_219 = vector.shape_cast %xor3A_218 : vector<16xi32> to vector<16x1xi32>
        %gather3A_220 = vector.shape_cast %broadcast_in_dim3A_219 : vector<16x1xi32> to vector<16xi32>
        %gather3A_221 = tpu.dynamic_gather %add3A_215[%gather3A_220] in [0] : vector<16xf32>, vector<16xi32> -> vector<16xf32>
        %add3A_222 = arith.addf %add3A_215, %gather3A_221 : vector<16xf32>
        %mul3A_223 = arith.constant 1.562500e-02 : f32
        %mul3A_224 = vector.broadcast %mul3A_223 : f32 to vector<16xf32>
        %mul3A_225 = arith.mulf %add3A_222, %mul3A_224 : vector<16xf32>
        %xor3A_226 = arith.constant 8 : i32
        %xor3A_227 = vector.broadcast %xor3A_226 : i32 to vector<16xi32>
        %xor3A_228 = arith.xori %iota3A, %xor3A_227 : vector<16xi32>
        %broadcast_in_dim3A_229 = vector.shape_cast %xor3A_228 : vector<16xi32> to vector<16x1xi32>
        %gather3A_230 = vector.shape_cast %broadcast_in_dim3A_229 : vector<16x1xi32> to vector<16xi32>
        %gather3A_231 = tpu.dynamic_gather %add3A_197[%gather3A_230] in [0] : vector<16xf32>, vector<16xi32> -> vector<16xf32>
        %add3A_232 = arith.addf %add3A_197, %gather3A_231 : vector<16xf32>
        %xor3A_233 = arith.constant 4 : i32
        %xor3A_234 = vector.broadcast %xor3A_233 : i32 to vector<16xi32>
        %xor3A_235 = arith.xori %iota3A, %xor3A_234 : vector<16xi32>
        %broadcast_in_dim3A_236 = vector.shape_cast %xor3A_235 : vector<16xi32> to vector<16x1xi32>
        %gather3A_237 = vector.shape_cast %broadcast_in_dim3A_236 : vector<16x1xi32> to vector<16xi32>
        %gather3A_238 = tpu.dynamic_gather %add3A_232[%gather3A_237] in [0] : vector<16xf32>, vector<16xi32> -> vector<16xf32>
        %add3A_239 = arith.addf %add3A_232, %gather3A_238 : vector<16xf32>
        %xor3A_240 = arith.constant 2 : i32
        %xor3A_241 = vector.broadcast %xor3A_240 : i32 to vector<16xi32>
        %xor3A_242 = arith.xori %iota3A, %xor3A_241 : vector<16xi32>
        %broadcast_in_dim3A_243 = vector.shape_cast %xor3A_242 : vector<16xi32> to vector<16x1xi32>
        %gather3A_244 = vector.shape_cast %broadcast_in_dim3A_243 : vector<16x1xi32> to vector<16xi32>
        %gather3A_245 = tpu.dynamic_gather %add3A_239[%gather3A_244] in [0] : vector<16xf32>, vector<16xi32> -> vector<16xf32>
        %add3A_246 = arith.addf %add3A_239, %gather3A_245 : vector<16xf32>
        %xor3A_247 = arith.constant 1 : i32
        %xor3A_248 = vector.broadcast %xor3A_247 : i32 to vector<16xi32>
        %xor3A_249 = arith.xori %iota3A, %xor3A_248 : vector<16xi32>
        %broadcast_in_dim3A_250 = vector.shape_cast %xor3A_249 : vector<16xi32> to vector<16x1xi32>
        %gather3A_251 = vector.shape_cast %broadcast_in_dim3A_250 : vector<16x1xi32> to vector<16xi32>
        %gather3A_252 = tpu.dynamic_gather %add3A_246[%gather3A_251] in [0] : vector<16xf32>, vector<16xi32> -> vector<16xf32>
        %add3A_253 = arith.addf %add3A_246, %gather3A_252 : vector<16xf32>
        %mul3A_254 = arith.constant 1.562500e-02 : f32
        %mul3A_255 = vector.broadcast %mul3A_254 : f32 to vector<16xf32>
        %mul3A_256 = arith.mulf %add3A_253, %mul3A_255 : vector<16xf32>
        %mul3A_257 = arith.mulf %mul3A_225, %mul3A_225 : vector<16xf32>
        %sub3A = arith.subf %mul3A_256, %mul3A_257 : vector<16xf32>
        %add3A_258 = arith.constant 9.99999974E-6 : f32
        %add3A_259 = vector.broadcast %add3A_258 : f32 to vector<16xf32>
        %add3A_260 = arith.addf %sub3A, %add3A_259 : vector<16xf32>
        %bitcast_convert_type3A = tpu.bitcast %add3A_260 : vector<16xf32> -> vector<16xi32>
        %shift_right_arithmetic3A = arith.constant 1 : i32
        %shift_right_arithmetic3A_261 = vector.broadcast %shift_right_arithmetic3A : i32 to vector<16xi32>
        %shift_right_arithmetic3A_262 = arith.shrsi %bitcast_convert_type3A, %shift_right_arithmetic3A_261 : vector<16xi32>
        %sub3A_263 = arith.constant 1597463007 : i32
        %sub3A_264 = vector.broadcast %sub3A_263 : i32 to vector<16xi32>
        %sub3A_265 = arith.subi %sub3A_264, %shift_right_arithmetic3A_262 : vector<16xi32>
        %bitcast_convert_type3A_266 = tpu.bitcast %sub3A_265 : vector<16xi32> -> vector<16xf32>
        %mul3A_267 = arith.constant 5.000000e-01 : f32
        %mul3A_268 = vector.broadcast %mul3A_267 : f32 to vector<16xf32>
        %mul3A_269 = arith.mulf %mul3A_268, %add3A_260 : vector<16xf32>
        %mul3A_270 = arith.mulf %mul3A_269, %bitcast_convert_type3A_266 : vector<16xf32>
        %mul3A_271 = arith.mulf %mul3A_270, %bitcast_convert_type3A_266 : vector<16xf32>
        %sub3A_272 = arith.constant 1.500000e+00 : f32
        %sub3A_273 = vector.broadcast %sub3A_272 : f32 to vector<16xf32>
        %sub3A_274 = arith.subf %sub3A_273, %mul3A_271 : vector<16xf32>
        %mul3A_275 = arith.mulf %bitcast_convert_type3A_266, %sub3A_274 : vector<16xf32>
        %mul3A_276 = arith.constant 5.000000e-01 : f32
        %mul3A_277 = vector.broadcast %mul3A_276 : f32 to vector<16xf32>
        %mul3A_278 = arith.mulf %mul3A_277, %add3A_260 : vector<16xf32>
        %mul3A_279 = arith.mulf %mul3A_278, %mul3A_275 : vector<16xf32>
        %mul3A_280 = arith.mulf %mul3A_279, %mul3A_275 : vector<16xf32>
        %sub3A_281 = arith.constant 1.500000e+00 : f32
        %sub3A_282 = vector.broadcast %sub3A_281 : f32 to vector<16xf32>
        %sub3A_283 = arith.subf %sub3A_282, %mul3A_280 : vector<16xf32>
        %mul3A_284 = arith.mulf %mul3A_275, %sub3A_283 : vector<16xf32>
        %mul3A_285 = arith.constant 5.000000e-01 : f32
        %mul3A_286 = vector.broadcast %mul3A_285 : f32 to vector<16xf32>
        %mul3A_287 = arith.mulf %mul3A_286, %add3A_260 : vector<16xf32>
        %mul3A_288 = arith.mulf %mul3A_287, %mul3A_284 : vector<16xf32>
        %mul3A_289 = arith.mulf %mul3A_288, %mul3A_284 : vector<16xf32>
        %sub3A_290 = arith.constant 1.500000e+00 : f32
        %sub3A_291 = vector.broadcast %sub3A_290 : f32 to vector<16xf32>
        %sub3A_292 = arith.subf %sub3A_291, %mul3A_289 : vector<16xf32>
        %mul3A_293 = arith.mulf %mul3A_284, %sub3A_292 : vector<16xf32>
        %sub3A_294 = arith.subf %get3A_172, %mul3A_225 : vector<16xf32>
        %mul3A_295 = arith.mulf %mul3A_293, %get3A_5 : vector<16xf32>
        %mul3A_296 = arith.mulf %sub3A_294, %mul3A_295 : vector<16xf32>
        %add3A_297 = arith.addf %mul3A_296, %get3A_25 : vector<16xf32>
        %swap3A = arith.index_cast %and3A_127 : i32 to index
        %swap3A_298 = arith.index_cast %scan3A_167 : i32 to index
        %swap3A_299 = arith.constant 0 : index
        %swap3A_300 = tpu.vector_load %arg8[%swap3A, %swap3A_298, %swap3A_299] {strides = array<i32>} : memref<2x512x64xf32, #tpu.memory_space<vmem>>, vector<1x1x16xf32>,
        %swap3A_301 = vector.shape_cast %swap3A_300 : vector<1x1x16xf32> to vector<16xf32>
        %swap3A_302 = vector.shape_cast %add3A_297 : vector<16xf32> to vector<1x1x16xf32>
        tpu.vector_store %arg8[%swap3A, %swap3A_298, %swap3A_299], %swap3A_302 {strides = array<i32>} : memref<2x512x64xf32, #tpu.memory_space<vmem>>, vector<1x1x16xf32>,
        %sub3A_303 = arith.subf %get3A_177, %mul3A_225 : vector<16xf32>
        %mul3A_304 = arith.mulf %mul3A_293, %get3A_10 : vector<16xf32>
        %mul3A_305 = arith.mulf %sub3A_303, %mul3A_304 : vector<16xf32>
        %add3A_306 = arith.addf %mul3A_305, %get3A_30 : vector<16xf32>
        %swap3A_307 = arith.index_cast %and3A_127 : i32 to index
        %swap3A_308 = arith.index_cast %scan3A_167 : i32 to index
        %swap3A_309 = arith.constant 16 : index
        %swap3A_310 = tpu.vector_load %arg8[%swap3A_307, %swap3A_308, %swap3A_309] {strides = array<i32>} : memref<2x512x64xf32, #tpu.memory_space<vmem>>, vector<1x1x16xf32>,
        %swap3A_311 = vector.shape_cast %swap3A_310 : vector<1x1x16xf32> to vector<16xf32>
        %swap3A_312 = vector.shape_cast %add3A_306 : vector<16xf32> to vector<1x1x16xf32>
        tpu.vector_store %arg8[%swap3A_307, %swap3A_308, %swap3A_309], %swap3A_312 {strides = array<i32>} : memref<2x512x64xf32, #tpu.memory_space<vmem>>, vector<1x1x16xf32>,
        %sub3A_313 = arith.subf %get3A_182, %mul3A_225 : vector<16xf32>
        %mul3A_314 = arith.mulf %mul3A_293, %get3A_15 : vector<16xf32>
        %mul3A_315 = arith.mulf %sub3A_313, %mul3A_314 : vector<16xf32>
        %add3A_316 = arith.addf %mul3A_315, %get3A_35 : vector<16xf32>
        %swap3A_317 = arith.index_cast %and3A_127 : i32 to index
        %swap3A_318 = arith.index_cast %scan3A_167 : i32 to index
        %swap3A_319 = arith.constant 32 : index
        %swap3A_320 = tpu.vector_load %arg8[%swap3A_317, %swap3A_318, %swap3A_319] {strides = array<i32>} : memref<2x512x64xf32, #tpu.memory_space<vmem>>, vector<1x1x16xf32>,
        %swap3A_321 = vector.shape_cast %swap3A_320 : vector<1x1x16xf32> to vector<16xf32>
        %swap3A_322 = vector.shape_cast %add3A_316 : vector<16xf32> to vector<1x1x16xf32>
        tpu.vector_store %arg8[%swap3A_317, %swap3A_318, %swap3A_319], %swap3A_322 {strides = array<i32>} : memref<2x512x64xf32, #tpu.memory_space<vmem>>, vector<1x1x16xf32>,
        %sub3A_323 = arith.subf %get3A_187, %mul3A_225 : vector<16xf32>
        %mul3A_324 = arith.mulf %mul3A_293, %get3A_20 : vector<16xf32>
        %mul3A_325 = arith.mulf %sub3A_323, %mul3A_324 : vector<16xf32>
        %add3A_326 = arith.addf %mul3A_325, %get3A_40 : vector<16xf32>
        %swap3A_327 = arith.index_cast %and3A_127 : i32 to index
        %swap3A_328 = arith.index_cast %scan3A_167 : i32 to index
        %swap3A_329 = arith.constant 48 : index
        %swap3A_330 = tpu.vector_load %arg8[%swap3A_327, %swap3A_328, %swap3A_329] {strides = array<i32>} : memref<2x512x64xf32, #tpu.memory_space<vmem>>, vector<1x1x16xf32>,
        %swap3A_331 = vector.shape_cast %swap3A_330 : vector<1x1x16xf32> to vector<16xf32>
        %swap3A_332 = vector.shape_cast %add3A_326 : vector<16xf32> to vector<1x1x16xf32>
        tpu.vector_store %arg8[%swap3A_327, %swap3A_328, %swap3A_329], %swap3A_332 {strides = array<i32>} : memref<2x512x64xf32, #tpu.memory_space<vmem>>, vector<1x1x16xf32>,
        %scan3A_333 = arith.constant 1 : i32
        %scan3A_334 = arith.addi %scan3A_167, %scan3A_333 : i32
        %get3A_335 = arith.index_cast %and3A_127 : i32 to index
        %get3A_336 = arith.index_cast %scan3A_334 : i32 to index
        %get3A_337 = arith.constant 0 : index
        %get3A_338 = tpu.vector_load %arg8[%get3A_335, %get3A_336, %get3A_337] {strides = array<i32>} : memref<2x512x64xf32, #tpu.memory_space<vmem>>, vector<1x1x16xf32>,
        %get3A_339 = vector.shape_cast %get3A_338 : vector<1x1x16xf32> to vector<16xf32>
        %get3A_340 = arith.index_cast %and3A_127 : i32 to index
        %get3A_341 = arith.index_cast %scan3A_334 : i32 to index
        %get3A_342 = arith.constant 16 : index
        %get3A_343 = tpu.vector_load %arg8[%get3A_340, %get3A_341, %get3A_342] {strides = array<i32>} : memref<2x512x64xf32, #tpu.memory_space<vmem>>, vector<1x1x16xf32>,
        %get3A_344 = vector.shape_cast %get3A_343 : vector<1x1x16xf32> to vector<16xf32>
        %get3A_345 = arith.index_cast %and3A_127 : i32 to index
        %get3A_346 = arith.index_cast %scan3A_334 : i32 to index
        %get3A_347 = arith.constant 32 : index
        %get3A_348 = tpu.vector_load %arg8[%get3A_345, %get3A_346, %get3A_347] {strides = array<i32>} : memref<2x512x64xf32, #tpu.memory_space<vmem>>, vector<1x1x16xf32>,
        %get3A_349 = vector.shape_cast %get3A_348 : vector<1x1x16xf32> to vector<16xf32>
        %get3A_350 = arith.index_cast %and3A_127 : i32 to index
        %get3A_351 = arith.index_cast %scan3A_334 : i32 to index
        %get3A_352 = arith.constant 48 : index
        %get3A_353 = tpu.vector_load %arg8[%get3A_350, %get3A_351, %get3A_352] {strides = array<i32>} : memref<2x512x64xf32, #tpu.memory_space<vmem>>, vector<1x1x16xf32>,
        %get3A_354 = vector.shape_cast %get3A_353 : vector<1x1x16xf32> to vector<16xf32>
        %add3A_355 = arith.addf %get3A_339, %get3A_344 : vector<16xf32>
        %add3A_356 = arith.addf %get3A_349, %get3A_354 : vector<16xf32>
        %add3A_357 = arith.addf %add3A_355, %add3A_356 : vector<16xf32>
        %mul3A_358 = arith.mulf %get3A_339, %get3A_339 : vector<16xf32>
        %mul3A_359 = arith.mulf %get3A_344, %get3A_344 : vector<16xf32>
        %add3A_360 = arith.addf %mul3A_358, %mul3A_359 : vector<16xf32>
        %mul3A_361 = arith.mulf %get3A_349, %get3A_349 : vector<16xf32>
        %mul3A_362 = arith.mulf %get3A_354, %get3A_354 : vector<16xf32>
        %add3A_363 = arith.addf %mul3A_361, %mul3A_362 : vector<16xf32>
        %add3A_364 = arith.addf %add3A_360, %add3A_363 : vector<16xf32>
        %xor3A_365 = arith.constant 8 : i32
        %xor3A_366 = vector.broadcast %xor3A_365 : i32 to vector<16xi32>
        %xor3A_367 = arith.xori %iota3A, %xor3A_366 : vector<16xi32>
        %broadcast_in_dim3A_368 = vector.shape_cast %xor3A_367 : vector<16xi32> to vector<16x1xi32>
        %gather3A_369 = vector.shape_cast %broadcast_in_dim3A_368 : vector<16x1xi32> to vector<16xi32>
        %gather3A_370 = tpu.dynamic_gather %add3A_357[%gather3A_369] in [0] : vector<16xf32>, vector<16xi32> -> vector<16xf32>
        %add3A_371 = arith.addf %add3A_357, %gather3A_370 : vector<16xf32>
        %xor3A_372 = arith.constant 4 : i32
        %xor3A_373 = vector.broadcast %xor3A_372 : i32 to vector<16xi32>
        %xor3A_374 = arith.xori %iota3A, %xor3A_373 : vector<16xi32>
        %broadcast_in_dim3A_375 = vector.shape_cast %xor3A_374 : vector<16xi32> to vector<16x1xi32>
        %gather3A_376 = vector.shape_cast %broadcast_in_dim3A_375 : vector<16x1xi32> to vector<16xi32>
        %gather3A_377 = tpu.dynamic_gather %add3A_371[%gather3A_376] in [0] : vector<16xf32>, vector<16xi32> -> vector<16xf32>
        %add3A_378 = arith.addf %add3A_371, %gather3A_377 : vector<16xf32>
        %xor3A_379 = arith.constant 2 : i32
        %xor3A_380 = vector.broadcast %xor3A_379 : i32 to vector<16xi32>
        %xor3A_381 = arith.xori %iota3A, %xor3A_380 : vector<16xi32>
        %broadcast_in_dim3A_382 = vector.shape_cast %xor3A_381 : vector<16xi32> to vector<16x1xi32>
        %gather3A_383 = vector.shape_cast %broadcast_in_dim3A_382 : vector<16x1xi32> to vector<16xi32>
        %gather3A_384 = tpu.dynamic_gather %add3A_378[%gather3A_383] in [0] : vector<16xf32>, vector<16xi32> -> vector<16xf32>
        %add3A_385 = arith.addf %add3A_378, %gather3A_384 : vector<16xf32>
        %xor3A_386 = arith.constant 1 : i32
        %xor3A_387 = vector.broadcast %xor3A_386 : i32 to vector<16xi32>
        %xor3A_388 = arith.xori %iota3A, %xor3A_387 : vector<16xi32>
        %broadcast_in_dim3A_389 = vector.shape_cast %xor3A_388 : vector<16xi32> to vector<16x1xi32>
        %gather3A_390 = vector.shape_cast %broadcast_in_dim3A_389 : vector<16x1xi32> to vector<16xi32>
        %gather3A_391 = tpu.dynamic_gather %add3A_385[%gather3A_390] in [0] : vector<16xf32>, vector<16xi32> -> vector<16xf32>
        %add3A_392 = arith.addf %add3A_385, %gather3A_391 : vector<16xf32>
        %mul3A_393 = arith.constant 1.562500e-02 : f32
        %mul3A_394 = vector.broadcast %mul3A_393 : f32 to vector<16xf32>
        %mul3A_395 = arith.mulf %add3A_392, %mul3A_394 : vector<16xf32>
        %xor3A_396 = arith.constant 8 : i32
        %xor3A_397 = vector.broadcast %xor3A_396 : i32 to vector<16xi32>
        %xor3A_398 = arith.xori %iota3A, %xor3A_397 : vector<16xi32>
        %broadcast_in_dim3A_399 = vector.shape_cast %xor3A_398 : vector<16xi32> to vector<16x1xi32>
        %gather3A_400 = vector.shape_cast %broadcast_in_dim3A_399 : vector<16x1xi32> to vector<16xi32>
        %gather3A_401 = tpu.dynamic_gather %add3A_364[%gather3A_400] in [0] : vector<16xf32>, vector<16xi32> -> vector<16xf32>
        %add3A_402 = arith.addf %add3A_364, %gather3A_401 : vector<16xf32>
        %xor3A_403 = arith.constant 4 : i32
        %xor3A_404 = vector.broadcast %xor3A_403 : i32 to vector<16xi32>
        %xor3A_405 = arith.xori %iota3A, %xor3A_404 : vector<16xi32>
        %broadcast_in_dim3A_406 = vector.shape_cast %xor3A_405 : vector<16xi32> to vector<16x1xi32>
        %gather3A_407 = vector.shape_cast %broadcast_in_dim3A_406 : vector<16x1xi32> to vector<16xi32>
        %gather3A_408 = tpu.dynamic_gather %add3A_402[%gather3A_407] in [0] : vector<16xf32>, vector<16xi32> -> vector<16xf32>
        %add3A_409 = arith.addf %add3A_402, %gather3A_408 : vector<16xf32>
        %xor3A_410 = arith.constant 2 : i32
        %xor3A_411 = vector.broadcast %xor3A_410 : i32 to vector<16xi32>
        %xor3A_412 = arith.xori %iota3A, %xor3A_411 : vector<16xi32>
        %broadcast_in_dim3A_413 = vector.shape_cast %xor3A_412 : vector<16xi32> to vector<16x1xi32>
        %gather3A_414 = vector.shape_cast %broadcast_in_dim3A_413 : vector<16x1xi32> to vector<16xi32>
        %gather3A_415 = tpu.dynamic_gather %add3A_409[%gather3A_414] in [0] : vector<16xf32>, vector<16xi32> -> vector<16xf32>
        %add3A_416 = arith.addf %add3A_409, %gather3A_415 : vector<16xf32>
        %xor3A_417 = arith.constant 1 : i32
        %xor3A_418 = vector.broadcast %xor3A_417 : i32 to vector<16xi32>
        %xor3A_419 = arith.xori %iota3A, %xor3A_418 : vector<16xi32>
        %broadcast_in_dim3A_420 = vector.shape_cast %xor3A_419 : vector<16xi32> to vector<16x1xi32>
        %gather3A_421 = vector.shape_cast %broadcast_in_dim3A_420 : vector<16x1xi32> to vector<16xi32>
        %gather3A_422 = tpu.dynamic_gather %add3A_416[%gather3A_421] in [0] : vector<16xf32>, vector<16xi32> -> vector<16xf32>
        %add3A_423 = arith.addf %add3A_416, %gather3A_422 : vector<16xf32>
        %mul3A_424 = arith.constant 1.562500e-02 : f32
        %mul3A_425 = vector.broadcast %mul3A_424 : f32 to vector<16xf32>
        %mul3A_426 = arith.mulf %add3A_423, %mul3A_425 : vector<16xf32>
        %mul3A_427 = arith.mulf %mul3A_395, %mul3A_395 : vector<16xf32>
        %sub3A_428 = arith.subf %mul3A_426, %mul3A_427 : vector<16xf32>
        %add3A_429 = arith.constant 9.99999974E-6 : f32
        %add3A_430 = vector.broadcast %add3A_429 : f32 to vector<16xf32>
        %add3A_431 = arith.addf %sub3A_428, %add3A_430 : vector<16xf32>
        %bitcast_convert_type3A_432 = tpu.bitcast %add3A_431 : vector<16xf32> -> vector<16xi32>
        %shift_right_arithmetic3A_433 = arith.constant 1 : i32
        %shift_right_arithmetic3A_434 = vector.broadcast %shift_right_arithmetic3A_433 : i32 to vector<16xi32>
        %shift_right_arithmetic3A_435 = arith.shrsi %bitcast_convert_type3A_432, %shift_right_arithmetic3A_434 : vector<16xi32>
        %sub3A_436 = arith.constant 1597463007 : i32
        %sub3A_437 = vector.broadcast %sub3A_436 : i32 to vector<16xi32>
        %sub3A_438 = arith.subi %sub3A_437, %shift_right_arithmetic3A_435 : vector<16xi32>
        %bitcast_convert_type3A_439 = tpu.bitcast %sub3A_438 : vector<16xi32> -> vector<16xf32>
        %mul3A_440 = arith.constant 5.000000e-01 : f32
        %mul3A_441 = vector.broadcast %mul3A_440 : f32 to vector<16xf32>
        %mul3A_442 = arith.mulf %mul3A_441, %add3A_431 : vector<16xf32>
        %mul3A_443 = arith.mulf %mul3A_442, %bitcast_convert_type3A_439 : vector<16xf32>
        %mul3A_444 = arith.mulf %mul3A_443, %bitcast_convert_type3A_439 : vector<16xf32>
        %sub3A_445 = arith.constant 1.500000e+00 : f32
        %sub3A_446 = vector.broadcast %sub3A_445 : f32 to vector<16xf32>
        %sub3A_447 = arith.subf %sub3A_446, %mul3A_444 : vector<16xf32>
        %mul3A_448 = arith.mulf %bitcast_convert_type3A_439, %sub3A_447 : vector<16xf32>
        %mul3A_449 = arith.constant 5.000000e-01 : f32
        %mul3A_450 = vector.broadcast %mul3A_449 : f32 to vector<16xf32>
        %mul3A_451 = arith.mulf %mul3A_450, %add3A_431 : vector<16xf32>
        %mul3A_452 = arith.mulf %mul3A_451, %mul3A_448 : vector<16xf32>
        %mul3A_453 = arith.mulf %mul3A_452, %mul3A_448 : vector<16xf32>
        %sub3A_454 = arith.constant 1.500000e+00 : f32
        %sub3A_455 = vector.broadcast %sub3A_454 : f32 to vector<16xf32>
        %sub3A_456 = arith.subf %sub3A_455, %mul3A_453 : vector<16xf32>
        %mul3A_457 = arith.mulf %mul3A_448, %sub3A_456 : vector<16xf32>
        %mul3A_458 = arith.constant 5.000000e-01 : f32
        %mul3A_459 = vector.broadcast %mul3A_458 : f32 to vector<16xf32>
        %mul3A_460 = arith.mulf %mul3A_459, %add3A_431 : vector<16xf32>
        %mul3A_461 = arith.mulf %mul3A_460, %mul3A_457 : vector<16xf32>
        %mul3A_462 = arith.mulf %mul3A_461, %mul3A_457 : vector<16xf32>
        %sub3A_463 = arith.constant 1.500000e+00 : f32
        %sub3A_464 = vector.broadcast %sub3A_463 : f32 to vector<16xf32>
        %sub3A_465 = arith.subf %sub3A_464, %mul3A_462 : vector<16xf32>
        %mul3A_466 = arith.mulf %mul3A_457, %sub3A_465 : vector<16xf32>
        %sub3A_467 = arith.subf %get3A_339, %mul3A_395 : vector<16xf32>
        %mul3A_468 = arith.mulf %mul3A_466, %get3A_5 : vector<16xf32>
        %mul3A_469 = arith.mulf %sub3A_467, %mul3A_468 : vector<16xf32>
        %add3A_470 = arith.addf %mul3A_469, %get3A_25 : vector<16xf32>
        %swap3A_471 = arith.index_cast %and3A_127 : i32 to index
        %swap3A_472 = arith.index_cast %scan3A_334 : i32 to index
        %swap3A_473 = arith.constant 0 : index
        %swap3A_474 = tpu.vector_load %arg8[%swap3A_471, %swap3A_472, %swap3A_473] {strides = array<i32>} : memref<2x512x64xf32, #tpu.memory_space<vmem>>, vector<1x1x16xf32>,
        %swap3A_475 = vector.shape_cast %swap3A_474 : vector<1x1x16xf32> to vector<16xf32>
        %swap3A_476 = vector.shape_cast %add3A_470 : vector<16xf32> to vector<1x1x16xf32>
        tpu.vector_store %arg8[%swap3A_471, %swap3A_472, %swap3A_473], %swap3A_476 {strides = array<i32>} : memref<2x512x64xf32, #tpu.memory_space<vmem>>, vector<1x1x16xf32>,
        %sub3A_477 = arith.subf %get3A_344, %mul3A_395 : vector<16xf32>
        %mul3A_478 = arith.mulf %mul3A_466, %get3A_10 : vector<16xf32>
        %mul3A_479 = arith.mulf %sub3A_477, %mul3A_478 : vector<16xf32>
        %add3A_480 = arith.addf %mul3A_479, %get3A_30 : vector<16xf32>
        %swap3A_481 = arith.index_cast %and3A_127 : i32 to index
        %swap3A_482 = arith.index_cast %scan3A_334 : i32 to index
        %swap3A_483 = arith.constant 16 : index
        %swap3A_484 = tpu.vector_load %arg8[%swap3A_481, %swap3A_482, %swap3A_483] {strides = array<i32>} : memref<2x512x64xf32, #tpu.memory_space<vmem>>, vector<1x1x16xf32>,
        %swap3A_485 = vector.shape_cast %swap3A_484 : vector<1x1x16xf32> to vector<16xf32>
        %swap3A_486 = vector.shape_cast %add3A_480 : vector<16xf32> to vector<1x1x16xf32>
        tpu.vector_store %arg8[%swap3A_481, %swap3A_482, %swap3A_483], %swap3A_486 {strides = array<i32>} : memref<2x512x64xf32, #tpu.memory_space<vmem>>, vector<1x1x16xf32>,
        %sub3A_487 = arith.subf %get3A_349, %mul3A_395 : vector<16xf32>
        %mul3A_488 = arith.mulf %mul3A_466, %get3A_15 : vector<16xf32>
        %mul3A_489 = arith.mulf %sub3A_487, %mul3A_488 : vector<16xf32>
        %add3A_490 = arith.addf %mul3A_489, %get3A_35 : vector<16xf32>
        %swap3A_491 = arith.index_cast %and3A_127 : i32 to index
        %swap3A_492 = arith.index_cast %scan3A_334 : i32 to index
        %swap3A_493 = arith.constant 32 : index
        %swap3A_494 = tpu.vector_load %arg8[%swap3A_491, %swap3A_492, %swap3A_493] {strides = array<i32>} : memref<2x512x64xf32, #tpu.memory_space<vmem>>, vector<1x1x16xf32>,
        %swap3A_495 = vector.shape_cast %swap3A_494 : vector<1x1x16xf32> to vector<16xf32>
        %swap3A_496 = vector.shape_cast %add3A_490 : vector<16xf32> to vector<1x1x16xf32>
        tpu.vector_store %arg8[%swap3A_491, %swap3A_492, %swap3A_493], %swap3A_496 {strides = array<i32>} : memref<2x512x64xf32, #tpu.memory_space<vmem>>, vector<1x1x16xf32>,
        %sub3A_497 = arith.subf %get3A_354, %mul3A_395 : vector<16xf32>
        %mul3A_498 = arith.mulf %mul3A_466, %get3A_20 : vector<16xf32>
        %mul3A_499 = arith.mulf %sub3A_497, %mul3A_498 : vector<16xf32>
        %add3A_500 = arith.addf %mul3A_499, %get3A_40 : vector<16xf32>
        %swap3A_501 = arith.index_cast %and3A_127 : i32 to index
        %swap3A_502 = arith.index_cast %scan3A_334 : i32 to index
        %swap3A_503 = arith.constant 48 : index
        %swap3A_504 = tpu.vector_load %arg8[%swap3A_501, %swap3A_502, %swap3A_503] {strides = array<i32>} : memref<2x512x64xf32, #tpu.memory_space<vmem>>, vector<1x1x16xf32>,
        %swap3A_505 = vector.shape_cast %swap3A_504 : vector<1x1x16xf32> to vector<16xf32>
        %swap3A_506 = vector.shape_cast %add3A_500 : vector<16xf32> to vector<1x1x16xf32>
        tpu.vector_store %arg8[%swap3A_501, %swap3A_502, %swap3A_503], %swap3A_506 {strides = array<i32>} : memref<2x512x64xf32, #tpu.memory_space<vmem>>, vector<1x1x16xf32>,
        %scan3A_507 = arith.constant 2 : i32
        %scan3A_508 = arith.addi %scan3A_167, %scan3A_507 : i32
        %get3A_509 = arith.index_cast %and3A_127 : i32 to index
        %get3A_510 = arith.index_cast %scan3A_508 : i32 to index
        %get3A_511 = arith.constant 0 : index
        %get3A_512 = tpu.vector_load %arg8[%get3A_509, %get3A_510, %get3A_511] {strides = array<i32>} : memref<2x512x64xf32, #tpu.memory_space<vmem>>, vector<1x1x16xf32>,
        %get3A_513 = vector.shape_cast %get3A_512 : vector<1x1x16xf32> to vector<16xf32>
        %get3A_514 = arith.index_cast %and3A_127 : i32 to index
        %get3A_515 = arith.index_cast %scan3A_508 : i32 to index
        %get3A_516 = arith.constant 16 : index
        %get3A_517 = tpu.vector_load %arg8[%get3A_514, %get3A_515, %get3A_516] {strides = array<i32>} : memref<2x512x64xf32, #tpu.memory_space<vmem>>, vector<1x1x16xf32>,
        %get3A_518 = vector.shape_cast %get3A_517 : vector<1x1x16xf32> to vector<16xf32>
        %get3A_519 = arith.index_cast %and3A_127 : i32 to index
        %get3A_520 = arith.index_cast %scan3A_508 : i32 to index
        %get3A_521 = arith.constant 32 : index
        %get3A_522 = tpu.vector_load %arg8[%get3A_519, %get3A_520, %get3A_521] {strides = array<i32>} : memref<2x512x64xf32, #tpu.memory_space<vmem>>, vector<1x1x16xf32>,
        %get3A_523 = vector.shape_cast %get3A_522 : vector<1x1x16xf32> to vector<16xf32>
        %get3A_524 = arith.index_cast %and3A_127 : i32 to index
        %get3A_525 = arith.index_cast %scan3A_508 : i32 to index
        %get3A_526 = arith.constant 48 : index
        %get3A_527 = tpu.vector_load %arg8[%get3A_524, %get3A_525, %get3A_526] {strides = array<i32>} : memref<2x512x64xf32, #tpu.memory_space<vmem>>, vector<1x1x16xf32>,
        %get3A_528 = vector.shape_cast %get3A_527 : vector<1x1x16xf32> to vector<16xf32>
        %add3A_529 = arith.addf %get3A_513, %get3A_518 : vector<16xf32>
        %add3A_530 = arith.addf %get3A_523, %get3A_528 : vector<16xf32>
        %add3A_531 = arith.addf %add3A_529, %add3A_530 : vector<16xf32>
        %mul3A_532 = arith.mulf %get3A_513, %get3A_513 : vector<16xf32>
        %mul3A_533 = arith.mulf %get3A_518, %get3A_518 : vector<16xf32>
        %add3A_534 = arith.addf %mul3A_532, %mul3A_533 : vector<16xf32>
        %mul3A_535 = arith.mulf %get3A_523, %get3A_523 : vector<16xf32>
        %mul3A_536 = arith.mulf %get3A_528, %get3A_528 : vector<16xf32>
        %add3A_537 = arith.addf %mul3A_535, %mul3A_536 : vector<16xf32>
        %add3A_538 = arith.addf %add3A_534, %add3A_537 : vector<16xf32>
        %xor3A_539 = arith.constant 8 : i32
        %xor3A_540 = vector.broadcast %xor3A_539 : i32 to vector<16xi32>
        %xor3A_541 = arith.xori %iota3A, %xor3A_540 : vector<16xi32>
        %broadcast_in_dim3A_542 = vector.shape_cast %xor3A_541 : vector<16xi32> to vector<16x1xi32>
        %gather3A_543 = vector.shape_cast %broadcast_in_dim3A_542 : vector<16x1xi32> to vector<16xi32>
        %gather3A_544 = tpu.dynamic_gather %add3A_531[%gather3A_543] in [0] : vector<16xf32>, vector<16xi32> -> vector<16xf32>
        %add3A_545 = arith.addf %add3A_531, %gather3A_544 : vector<16xf32>
        %xor3A_546 = arith.constant 4 : i32
        %xor3A_547 = vector.broadcast %xor3A_546 : i32 to vector<16xi32>
        %xor3A_548 = arith.xori %iota3A, %xor3A_547 : vector<16xi32>
        %broadcast_in_dim3A_549 = vector.shape_cast %xor3A_548 : vector<16xi32> to vector<16x1xi32>
        %gather3A_550 = vector.shape_cast %broadcast_in_dim3A_549 : vector<16x1xi32> to vector<16xi32>
        %gather3A_551 = tpu.dynamic_gather %add3A_545[%gather3A_550] in [0] : vector<16xf32>, vector<16xi32> -> vector<16xf32>
        %add3A_552 = arith.addf %add3A_545, %gather3A_551 : vector<16xf32>
        %xor3A_553 = arith.constant 2 : i32
        %xor3A_554 = vector.broadcast %xor3A_553 : i32 to vector<16xi32>
        %xor3A_555 = arith.xori %iota3A, %xor3A_554 : vector<16xi32>
        %broadcast_in_dim3A_556 = vector.shape_cast %xor3A_555 : vector<16xi32> to vector<16x1xi32>
        %gather3A_557 = vector.shape_cast %broadcast_in_dim3A_556 : vector<16x1xi32> to vector<16xi32>
        %gather3A_558 = tpu.dynamic_gather %add3A_552[%gather3A_557] in [0] : vector<16xf32>, vector<16xi32> -> vector<16xf32>
        %add3A_559 = arith.addf %add3A_552, %gather3A_558 : vector<16xf32>
        %xor3A_560 = arith.constant 1 : i32
        %xor3A_561 = vector.broadcast %xor3A_560 : i32 to vector<16xi32>
        %xor3A_562 = arith.xori %iota3A, %xor3A_561 : vector<16xi32>
        %broadcast_in_dim3A_563 = vector.shape_cast %xor3A_562 : vector<16xi32> to vector<16x1xi32>
        %gather3A_564 = vector.shape_cast %broadcast_in_dim3A_563 : vector<16x1xi32> to vector<16xi32>
        %gather3A_565 = tpu.dynamic_gather %add3A_559[%gather3A_564] in [0] : vector<16xf32>, vector<16xi32> -> vector<16xf32>
        %add3A_566 = arith.addf %add3A_559, %gather3A_565 : vector<16xf32>
        %mul3A_567 = arith.constant 1.562500e-02 : f32
        %mul3A_568 = vector.broadcast %mul3A_567 : f32 to vector<16xf32>
        %mul3A_569 = arith.mulf %add3A_566, %mul3A_568 : vector<16xf32>
        %xor3A_570 = arith.constant 8 : i32
        %xor3A_571 = vector.broadcast %xor3A_570 : i32 to vector<16xi32>
        %xor3A_572 = arith.xori %iota3A, %xor3A_571 : vector<16xi32>
        %broadcast_in_dim3A_573 = vector.shape_cast %xor3A_572 : vector<16xi32> to vector<16x1xi32>
        %gather3A_574 = vector.shape_cast %broadcast_in_dim3A_573 : vector<16x1xi32> to vector<16xi32>
        %gather3A_575 = tpu.dynamic_gather %add3A_538[%gather3A_574] in [0] : vector<16xf32>, vector<16xi32> -> vector<16xf32>
        %add3A_576 = arith.addf %add3A_538, %gather3A_575 : vector<16xf32>
        %xor3A_577 = arith.constant 4 : i32
        %xor3A_578 = vector.broadcast %xor3A_577 : i32 to vector<16xi32>
        %xor3A_579 = arith.xori %iota3A, %xor3A_578 : vector<16xi32>
        %broadcast_in_dim3A_580 = vector.shape_cast %xor3A_579 : vector<16xi32> to vector<16x1xi32>
        %gather3A_581 = vector.shape_cast %broadcast_in_dim3A_580 : vector<16x1xi32> to vector<16xi32>
        %gather3A_582 = tpu.dynamic_gather %add3A_576[%gather3A_581] in [0] : vector<16xf32>, vector<16xi32> -> vector<16xf32>
        %add3A_583 = arith.addf %add3A_576, %gather3A_582 : vector<16xf32>
        %xor3A_584 = arith.constant 2 : i32
        %xor3A_585 = vector.broadcast %xor3A_584 : i32 to vector<16xi32>
        %xor3A_586 = arith.xori %iota3A, %xor3A_585 : vector<16xi32>
        %broadcast_in_dim3A_587 = vector.shape_cast %xor3A_586 : vector<16xi32> to vector<16x1xi32>
        %gather3A_588 = vector.shape_cast %broadcast_in_dim3A_587 : vector<16x1xi32> to vector<16xi32>
        %gather3A_589 = tpu.dynamic_gather %add3A_583[%gather3A_588] in [0] : vector<16xf32>, vector<16xi32> -> vector<16xf32>
        %add3A_590 = arith.addf %add3A_583, %gather3A_589 : vector<16xf32>
        %xor3A_591 = arith.constant 1 : i32
        %xor3A_592 = vector.broadcast %xor3A_591 : i32 to vector<16xi32>
        %xor3A_593 = arith.xori %iota3A, %xor3A_592 : vector<16xi32>
        %broadcast_in_dim3A_594 = vector.shape_cast %xor3A_593 : vector<16xi32> to vector<16x1xi32>
        %gather3A_595 = vector.shape_cast %broadcast_in_dim3A_594 : vector<16x1xi32> to vector<16xi32>
        %gather3A_596 = tpu.dynamic_gather %add3A_590[%gather3A_595] in [0] : vector<16xf32>, vector<16xi32> -> vector<16xf32>
        %add3A_597 = arith.addf %add3A_590, %gather3A_596 : vector<16xf32>
        %mul3A_598 = arith.constant 1.562500e-02 : f32
        %mul3A_599 = vector.broadcast %mul3A_598 : f32 to vector<16xf32>
        %mul3A_600 = arith.mulf %add3A_597, %mul3A_599 : vector<16xf32>
        %mul3A_601 = arith.mulf %mul3A_569, %mul3A_569 : vector<16xf32>
        %sub3A_602 = arith.subf %mul3A_600, %mul3A_601 : vector<16xf32>
        %add3A_603 = arith.constant 9.99999974E-6 : f32
        %add3A_604 = vector.broadcast %add3A_603 : f32 to vector<16xf32>
        %add3A_605 = arith.addf %sub3A_602, %add3A_604 : vector<16xf32>
        %bitcast_convert_type3A_606 = tpu.bitcast %add3A_605 : vector<16xf32> -> vector<16xi32>
        %shift_right_arithmetic3A_607 = arith.constant 1 : i32
        %shift_right_arithmetic3A_608 = vector.broadcast %shift_right_arithmetic3A_607 : i32 to vector<16xi32>
        %shift_right_arithmetic3A_609 = arith.shrsi %bitcast_convert_type3A_606, %shift_right_arithmetic3A_608 : vector<16xi32>
        %sub3A_610 = arith.constant 1597463007 : i32
        %sub3A_611 = vector.broadcast %sub3A_610 : i32 to vector<16xi32>
        %sub3A_612 = arith.subi %sub3A_611, %shift_right_arithmetic3A_609 : vector<16xi32>
        %bitcast_convert_type3A_613 = tpu.bitcast %sub3A_612 : vector<16xi32> -> vector<16xf32>
        %mul3A_614 = arith.constant 5.000000e-01 : f32
        %mul3A_615 = vector.broadcast %mul3A_614 : f32 to vector<16xf32>
        %mul3A_616 = arith.mulf %mul3A_615, %add3A_605 : vector<16xf32>
        %mul3A_617 = arith.mulf %mul3A_616, %bitcast_convert_type3A_613 : vector<16xf32>
        %mul3A_618 = arith.mulf %mul3A_617, %bitcast_convert_type3A_613 : vector<16xf32>
        %sub3A_619 = arith.constant 1.500000e+00 : f32
        %sub3A_620 = vector.broadcast %sub3A_619 : f32 to vector<16xf32>
        %sub3A_621 = arith.subf %sub3A_620, %mul3A_618 : vector<16xf32>
        %mul3A_622 = arith.mulf %bitcast_convert_type3A_613, %sub3A_621 : vector<16xf32>
        %mul3A_623 = arith.constant 5.000000e-01 : f32
        %mul3A_624 = vector.broadcast %mul3A_623 : f32 to vector<16xf32>
        %mul3A_625 = arith.mulf %mul3A_624, %add3A_605 : vector<16xf32>
        %mul3A_626 = arith.mulf %mul3A_625, %mul3A_622 : vector<16xf32>
        %mul3A_627 = arith.mulf %mul3A_626, %mul3A_622 : vector<16xf32>
        %sub3A_628 = arith.constant 1.500000e+00 : f32
        %sub3A_629 = vector.broadcast %sub3A_628 : f32 to vector<16xf32>
        %sub3A_630 = arith.subf %sub3A_629, %mul3A_627 : vector<16xf32>
        %mul3A_631 = arith.mulf %mul3A_622, %sub3A_630 : vector<16xf32>
        %mul3A_632 = arith.constant 5.000000e-01 : f32
        %mul3A_633 = vector.broadcast %mul3A_632 : f32 to vector<16xf32>
        %mul3A_634 = arith.mulf %mul3A_633, %add3A_605 : vector<16xf32>
        %mul3A_635 = arith.mulf %mul3A_634, %mul3A_631 : vector<16xf32>
        %mul3A_636 = arith.mulf %mul3A_635, %mul3A_631 : vector<16xf32>
        %sub3A_637 = arith.constant 1.500000e+00 : f32
        %sub3A_638 = vector.broadcast %sub3A_637 : f32 to vector<16xf32>
        %sub3A_639 = arith.subf %sub3A_638, %mul3A_636 : vector<16xf32>
        %mul3A_640 = arith.mulf %mul3A_631, %sub3A_639 : vector<16xf32>
        %sub3A_641 = arith.subf %get3A_513, %mul3A_569 : vector<16xf32>
        %mul3A_642 = arith.mulf %mul3A_640, %get3A_5 : vector<16xf32>
        %mul3A_643 = arith.mulf %sub3A_641, %mul3A_642 : vector<16xf32>
        %add3A_644 = arith.addf %mul3A_643, %get3A_25 : vector<16xf32>
        %swap3A_645 = arith.index_cast %and3A_127 : i32 to index
        %swap3A_646 = arith.index_cast %scan3A_508 : i32 to index
        %swap3A_647 = arith.constant 0 : index
        %swap3A_648 = tpu.vector_load %arg8[%swap3A_645, %swap3A_646, %swap3A_647] {strides = array<i32>} : memref<2x512x64xf32, #tpu.memory_space<vmem>>, vector<1x1x16xf32>,
        %swap3A_649 = vector.shape_cast %swap3A_648 : vector<1x1x16xf32> to vector<16xf32>
        %swap3A_650 = vector.shape_cast %add3A_644 : vector<16xf32> to vector<1x1x16xf32>
        tpu.vector_store %arg8[%swap3A_645, %swap3A_646, %swap3A_647], %swap3A_650 {strides = array<i32>} : memref<2x512x64xf32, #tpu.memory_space<vmem>>, vector<1x1x16xf32>,
        %sub3A_651 = arith.subf %get3A_518, %mul3A_569 : vector<16xf32>
        %mul3A_652 = arith.mulf %mul3A_640, %get3A_10 : vector<16xf32>
        %mul3A_653 = arith.mulf %sub3A_651, %mul3A_652 : vector<16xf32>
        %add3A_654 = arith.addf %mul3A_653, %get3A_30 : vector<16xf32>
        %swap3A_655 = arith.index_cast %and3A_127 : i32 to index
        %swap3A_656 = arith.index_cast %scan3A_508 : i32 to index
        %swap3A_657 = arith.constant 16 : index
        %swap3A_658 = tpu.vector_load %arg8[%swap3A_655, %swap3A_656, %swap3A_657] {strides = array<i32>} : memref<2x512x64xf32, #tpu.memory_space<vmem>>, vector<1x1x16xf32>,
        %swap3A_659 = vector.shape_cast %swap3A_658 : vector<1x1x16xf32> to vector<16xf32>
        %swap3A_660 = vector.shape_cast %add3A_654 : vector<16xf32> to vector<1x1x16xf32>
        tpu.vector_store %arg8[%swap3A_655, %swap3A_656, %swap3A_657], %swap3A_660 {strides = array<i32>} : memref<2x512x64xf32, #tpu.memory_space<vmem>>, vector<1x1x16xf32>,
        %sub3A_661 = arith.subf %get3A_523, %mul3A_569 : vector<16xf32>
        %mul3A_662 = arith.mulf %mul3A_640, %get3A_15 : vector<16xf32>
        %mul3A_663 = arith.mulf %sub3A_661, %mul3A_662 : vector<16xf32>
        %add3A_664 = arith.addf %mul3A_663, %get3A_35 : vector<16xf32>
        %swap3A_665 = arith.index_cast %and3A_127 : i32 to index
        %swap3A_666 = arith.index_cast %scan3A_508 : i32 to index
        %swap3A_667 = arith.constant 32 : index
        %swap3A_668 = tpu.vector_load %arg8[%swap3A_665, %swap3A_666, %swap3A_667] {strides = array<i32>} : memref<2x512x64xf32, #tpu.memory_space<vmem>>, vector<1x1x16xf32>,
        %swap3A_669 = vector.shape_cast %swap3A_668 : vector<1x1x16xf32> to vector<16xf32>
        %swap3A_670 = vector.shape_cast %add3A_664 : vector<16xf32> to vector<1x1x16xf32>
        tpu.vector_store %arg8[%swap3A_665, %swap3A_666, %swap3A_667], %swap3A_670 {strides = array<i32>} : memref<2x512x64xf32, #tpu.memory_space<vmem>>, vector<1x1x16xf32>,
        %sub3A_671 = arith.subf %get3A_528, %mul3A_569 : vector<16xf32>
        %mul3A_672 = arith.mulf %mul3A_640, %get3A_20 : vector<16xf32>
        %mul3A_673 = arith.mulf %sub3A_671, %mul3A_672 : vector<16xf32>
        %add3A_674 = arith.addf %mul3A_673, %get3A_40 : vector<16xf32>
        %swap3A_675 = arith.index_cast %and3A_127 : i32 to index
        %swap3A_676 = arith.index_cast %scan3A_508 : i32 to index
        %swap3A_677 = arith.constant 48 : index
        %swap3A_678 = tpu.vector_load %arg8[%swap3A_675, %swap3A_676, %swap3A_677] {strides = array<i32>} : memref<2x512x64xf32, #tpu.memory_space<vmem>>, vector<1x1x16xf32>,
        %swap3A_679 = vector.shape_cast %swap3A_678 : vector<1x1x16xf32> to vector<16xf32>
        %swap3A_680 = vector.shape_cast %add3A_674 : vector<16xf32> to vector<1x1x16xf32>
        tpu.vector_store %arg8[%swap3A_675, %swap3A_676, %swap3A_677], %swap3A_680 {strides = array<i32>} : memref<2x512x64xf32, #tpu.memory_space<vmem>>, vector<1x1x16xf32>,
        %scan3A_681 = arith.constant 3 : i32
        %scan3A_682 = arith.addi %scan3A_167, %scan3A_681 : i32
        %get3A_683 = arith.index_cast %and3A_127 : i32 to index
        %get3A_684 = arith.index_cast %scan3A_682 : i32 to index
        %get3A_685 = arith.constant 0 : index
        %get3A_686 = tpu.vector_load %arg8[%get3A_683, %get3A_684, %get3A_685] {strides = array<i32>} : memref<2x512x64xf32, #tpu.memory_space<vmem>>, vector<1x1x16xf32>,
        %get3A_687 = vector.shape_cast %get3A_686 : vector<1x1x16xf32> to vector<16xf32>
        %get3A_688 = arith.index_cast %and3A_127 : i32 to index
        %get3A_689 = arith.index_cast %scan3A_682 : i32 to index
        %get3A_690 = arith.constant 16 : index
        %get3A_691 = tpu.vector_load %arg8[%get3A_688, %get3A_689, %get3A_690] {strides = array<i32>} : memref<2x512x64xf32, #tpu.memory_space<vmem>>, vector<1x1x16xf32>,
        %get3A_692 = vector.shape_cast %get3A_691 : vector<1x1x16xf32> to vector<16xf32>
        %get3A_693 = arith.index_cast %and3A_127 : i32 to index
        %get3A_694 = arith.index_cast %scan3A_682 : i32 to index
        %get3A_695 = arith.constant 32 : index
        %get3A_696 = tpu.vector_load %arg8[%get3A_693, %get3A_694, %get3A_695] {strides = array<i32>} : memref<2x512x64xf32, #tpu.memory_space<vmem>>, vector<1x1x16xf32>,
        %get3A_697 = vector.shape_cast %get3A_696 : vector<1x1x16xf32> to vector<16xf32>
        %get3A_698 = arith.index_cast %and3A_127 : i32 to index
        %get3A_699 = arith.index_cast %scan3A_682 : i32 to index
        %get3A_700 = arith.constant 48 : index
        %get3A_701 = tpu.vector_load %arg8[%get3A_698, %get3A_699, %get3A_700] {strides = array<i32>} : memref<2x512x64xf32, #tpu.memory_space<vmem>>, vector<1x1x16xf32>,
        %get3A_702 = vector.shape_cast %get3A_701 : vector<1x1x16xf32> to vector<16xf32>
        %add3A_703 = arith.addf %get3A_687, %get3A_692 : vector<16xf32>
        %add3A_704 = arith.addf %get3A_697, %get3A_702 : vector<16xf32>
        %add3A_705 = arith.addf %add3A_703, %add3A_704 : vector<16xf32>
        %mul3A_706 = arith.mulf %get3A_687, %get3A_687 : vector<16xf32>
        %mul3A_707 = arith.mulf %get3A_692, %get3A_692 : vector<16xf32>
        %add3A_708 = arith.addf %mul3A_706, %mul3A_707 : vector<16xf32>
        %mul3A_709 = arith.mulf %get3A_697, %get3A_697 : vector<16xf32>
        %mul3A_710 = arith.mulf %get3A_702, %get3A_702 : vector<16xf32>
        %add3A_711 = arith.addf %mul3A_709, %mul3A_710 : vector<16xf32>
        %add3A_712 = arith.addf %add3A_708, %add3A_711 : vector<16xf32>
        %xor3A_713 = arith.constant 8 : i32
        %xor3A_714 = vector.broadcast %xor3A_713 : i32 to vector<16xi32>
        %xor3A_715 = arith.xori %iota3A, %xor3A_714 : vector<16xi32>
        %broadcast_in_dim3A_716 = vector.shape_cast %xor3A_715 : vector<16xi32> to vector<16x1xi32>
        %gather3A_717 = vector.shape_cast %broadcast_in_dim3A_716 : vector<16x1xi32> to vector<16xi32>
        %gather3A_718 = tpu.dynamic_gather %add3A_705[%gather3A_717] in [0] : vector<16xf32>, vector<16xi32> -> vector<16xf32>
        %add3A_719 = arith.addf %add3A_705, %gather3A_718 : vector<16xf32>
        %xor3A_720 = arith.constant 4 : i32
        %xor3A_721 = vector.broadcast %xor3A_720 : i32 to vector<16xi32>
        %xor3A_722 = arith.xori %iota3A, %xor3A_721 : vector<16xi32>
        %broadcast_in_dim3A_723 = vector.shape_cast %xor3A_722 : vector<16xi32> to vector<16x1xi32>
        %gather3A_724 = vector.shape_cast %broadcast_in_dim3A_723 : vector<16x1xi32> to vector<16xi32>
        %gather3A_725 = tpu.dynamic_gather %add3A_719[%gather3A_724] in [0] : vector<16xf32>, vector<16xi32> -> vector<16xf32>
        %add3A_726 = arith.addf %add3A_719, %gather3A_725 : vector<16xf32>
        %xor3A_727 = arith.constant 2 : i32
        %xor3A_728 = vector.broadcast %xor3A_727 : i32 to vector<16xi32>
        %xor3A_729 = arith.xori %iota3A, %xor3A_728 : vector<16xi32>
        %broadcast_in_dim3A_730 = vector.shape_cast %xor3A_729 : vector<16xi32> to vector<16x1xi32>
        %gather3A_731 = vector.shape_cast %broadcast_in_dim3A_730 : vector<16x1xi32> to vector<16xi32>
        %gather3A_732 = tpu.dynamic_gather %add3A_726[%gather3A_731] in [0] : vector<16xf32>, vector<16xi32> -> vector<16xf32>
        %add3A_733 = arith.addf %add3A_726, %gather3A_732 : vector<16xf32>
        %xor3A_734 = arith.constant 1 : i32
        %xor3A_735 = vector.broadcast %xor3A_734 : i32 to vector<16xi32>
        %xor3A_736 = arith.xori %iota3A, %xor3A_735 : vector<16xi32>
        %broadcast_in_dim3A_737 = vector.shape_cast %xor3A_736 : vector<16xi32> to vector<16x1xi32>
        %gather3A_738 = vector.shape_cast %broadcast_in_dim3A_737 : vector<16x1xi32> to vector<16xi32>
        %gather3A_739 = tpu.dynamic_gather %add3A_733[%gather3A_738] in [0] : vector<16xf32>, vector<16xi32> -> vector<16xf32>
        %add3A_740 = arith.addf %add3A_733, %gather3A_739 : vector<16xf32>
        %mul3A_741 = arith.constant 1.562500e-02 : f32
        %mul3A_742 = vector.broadcast %mul3A_741 : f32 to vector<16xf32>
        %mul3A_743 = arith.mulf %add3A_740, %mul3A_742 : vector<16xf32>
        %xor3A_744 = arith.constant 8 : i32
        %xor3A_745 = vector.broadcast %xor3A_744 : i32 to vector<16xi32>
        %xor3A_746 = arith.xori %iota3A, %xor3A_745 : vector<16xi32>
        %broadcast_in_dim3A_747 = vector.shape_cast %xor3A_746 : vector<16xi32> to vector<16x1xi32>
        %gather3A_748 = vector.shape_cast %broadcast_in_dim3A_747 : vector<16x1xi32> to vector<16xi32>
        %gather3A_749 = tpu.dynamic_gather %add3A_712[%gather3A_748] in [0] : vector<16xf32>, vector<16xi32> -> vector<16xf32>
        %add3A_750 = arith.addf %add3A_712, %gather3A_749 : vector<16xf32>
        %xor3A_751 = arith.constant 4 : i32
        %xor3A_752 = vector.broadcast %xor3A_751 : i32 to vector<16xi32>
        %xor3A_753 = arith.xori %iota3A, %xor3A_752 : vector<16xi32>
        %broadcast_in_dim3A_754 = vector.shape_cast %xor3A_753 : vector<16xi32> to vector<16x1xi32>
        %gather3A_755 = vector.shape_cast %broadcast_in_dim3A_754 : vector<16x1xi32> to vector<16xi32>
        %gather3A_756 = tpu.dynamic_gather %add3A_750[%gather3A_755] in [0] : vector<16xf32>, vector<16xi32> -> vector<16xf32>
        %add3A_757 = arith.addf %add3A_750, %gather3A_756 : vector<16xf32>
        %xor3A_758 = arith.constant 2 : i32
        %xor3A_759 = vector.broadcast %xor3A_758 : i32 to vector<16xi32>
        %xor3A_760 = arith.xori %iota3A, %xor3A_759 : vector<16xi32>
        %broadcast_in_dim3A_761 = vector.shape_cast %xor3A_760 : vector<16xi32> to vector<16x1xi32>
        %gather3A_762 = vector.shape_cast %broadcast_in_dim3A_761 : vector<16x1xi32> to vector<16xi32>
        %gather3A_763 = tpu.dynamic_gather %add3A_757[%gather3A_762] in [0] : vector<16xf32>, vector<16xi32> -> vector<16xf32>
        %add3A_764 = arith.addf %add3A_757, %gather3A_763 : vector<16xf32>
        %xor3A_765 = arith.constant 1 : i32
        %xor3A_766 = vector.broadcast %xor3A_765 : i32 to vector<16xi32>
        %xor3A_767 = arith.xori %iota3A, %xor3A_766 : vector<16xi32>
        %broadcast_in_dim3A_768 = vector.shape_cast %xor3A_767 : vector<16xi32> to vector<16x1xi32>
        %gather3A_769 = vector.shape_cast %broadcast_in_dim3A_768 : vector<16x1xi32> to vector<16xi32>
        %gather3A_770 = tpu.dynamic_gather %add3A_764[%gather3A_769] in [0] : vector<16xf32>, vector<16xi32> -> vector<16xf32>
        %add3A_771 = arith.addf %add3A_764, %gather3A_770 : vector<16xf32>
        %mul3A_772 = arith.constant 1.562500e-02 : f32
        %mul3A_773 = vector.broadcast %mul3A_772 : f32 to vector<16xf32>
        %mul3A_774 = arith.mulf %add3A_771, %mul3A_773 : vector<16xf32>
        %mul3A_775 = arith.mulf %mul3A_743, %mul3A_743 : vector<16xf32>
        %sub3A_776 = arith.subf %mul3A_774, %mul3A_775 : vector<16xf32>
        %add3A_777 = arith.constant 9.99999974E-6 : f32
        %add3A_778 = vector.broadcast %add3A_777 : f32 to vector<16xf32>
        %add3A_779 = arith.addf %sub3A_776, %add3A_778 : vector<16xf32>
        %bitcast_convert_type3A_780 = tpu.bitcast %add3A_779 : vector<16xf32> -> vector<16xi32>
        %shift_right_arithmetic3A_781 = arith.constant 1 : i32
        %shift_right_arithmetic3A_782 = vector.broadcast %shift_right_arithmetic3A_781 : i32 to vector<16xi32>
        %shift_right_arithmetic3A_783 = arith.shrsi %bitcast_convert_type3A_780, %shift_right_arithmetic3A_782 : vector<16xi32>
        %sub3A_784 = arith.constant 1597463007 : i32
        %sub3A_785 = vector.broadcast %sub3A_784 : i32 to vector<16xi32>
        %sub3A_786 = arith.subi %sub3A_785, %shift_right_arithmetic3A_783 : vector<16xi32>
        %bitcast_convert_type3A_787 = tpu.bitcast %sub3A_786 : vector<16xi32> -> vector<16xf32>
        %mul3A_788 = arith.constant 5.000000e-01 : f32
        %mul3A_789 = vector.broadcast %mul3A_788 : f32 to vector<16xf32>
        %mul3A_790 = arith.mulf %mul3A_789, %add3A_779 : vector<16xf32>
        %mul3A_791 = arith.mulf %mul3A_790, %bitcast_convert_type3A_787 : vector<16xf32>
        %mul3A_792 = arith.mulf %mul3A_791, %bitcast_convert_type3A_787 : vector<16xf32>
        %sub3A_793 = arith.constant 1.500000e+00 : f32
        %sub3A_794 = vector.broadcast %sub3A_793 : f32 to vector<16xf32>
        %sub3A_795 = arith.subf %sub3A_794, %mul3A_792 : vector<16xf32>
        %mul3A_796 = arith.mulf %bitcast_convert_type3A_787, %sub3A_795 : vector<16xf32>
        %mul3A_797 = arith.constant 5.000000e-01 : f32
        %mul3A_798 = vector.broadcast %mul3A_797 : f32 to vector<16xf32>
        %mul3A_799 = arith.mulf %mul3A_798, %add3A_779 : vector<16xf32>
        %mul3A_800 = arith.mulf %mul3A_799, %mul3A_796 : vector<16xf32>
        %mul3A_801 = arith.mulf %mul3A_800, %mul3A_796 : vector<16xf32>
        %sub3A_802 = arith.constant 1.500000e+00 : f32
        %sub3A_803 = vector.broadcast %sub3A_802 : f32 to vector<16xf32>
        %sub3A_804 = arith.subf %sub3A_803, %mul3A_801 : vector<16xf32>
        %mul3A_805 = arith.mulf %mul3A_796, %sub3A_804 : vector<16xf32>
        %mul3A_806 = arith.constant 5.000000e-01 : f32
        %mul3A_807 = vector.broadcast %mul3A_806 : f32 to vector<16xf32>
        %mul3A_808 = arith.mulf %mul3A_807, %add3A_779 : vector<16xf32>
        %mul3A_809 = arith.mulf %mul3A_808, %mul3A_805 : vector<16xf32>
        %mul3A_810 = arith.mulf %mul3A_809, %mul3A_805 : vector<16xf32>
        %sub3A_811 = arith.constant 1.500000e+00 : f32
        %sub3A_812 = vector.broadcast %sub3A_811 : f32 to vector<16xf32>
        %sub3A_813 = arith.subf %sub3A_812, %mul3A_810 : vector<16xf32>
        %mul3A_814 = arith.mulf %mul3A_805, %sub3A_813 : vector<16xf32>
        %sub3A_815 = arith.subf %get3A_687, %mul3A_743 : vector<16xf32>
        %mul3A_816 = arith.mulf %mul3A_814, %get3A_5 : vector<16xf32>
        %mul3A_817 = arith.mulf %sub3A_815, %mul3A_816 : vector<16xf32>
        %add3A_818 = arith.addf %mul3A_817, %get3A_25 : vector<16xf32>
        %swap3A_819 = arith.index_cast %and3A_127 : i32 to index
        %swap3A_820 = arith.index_cast %scan3A_682 : i32 to index
        %swap3A_821 = arith.constant 0 : index
        %swap3A_822 = tpu.vector_load %arg8[%swap3A_819, %swap3A_820, %swap3A_821] {strides = array<i32>} : memref<2x512x64xf32, #tpu.memory_space<vmem>>, vector<1x1x16xf32>,
        %swap3A_823 = vector.shape_cast %swap3A_822 : vector<1x1x16xf32> to vector<16xf32>
        %swap3A_824 = vector.shape_cast %add3A_818 : vector<16xf32> to vector<1x1x16xf32>
        tpu.vector_store %arg8[%swap3A_819, %swap3A_820, %swap3A_821], %swap3A_824 {strides = array<i32>} : memref<2x512x64xf32, #tpu.memory_space<vmem>>, vector<1x1x16xf32>,
        %sub3A_825 = arith.subf %get3A_692, %mul3A_743 : vector<16xf32>
        %mul3A_826 = arith.mulf %mul3A_814, %get3A_10 : vector<16xf32>
        %mul3A_827 = arith.mulf %sub3A_825, %mul3A_826 : vector<16xf32>
        %add3A_828 = arith.addf %mul3A_827, %get3A_30 : vector<16xf32>
        %swap3A_829 = arith.index_cast %and3A_127 : i32 to index
        %swap3A_830 = arith.index_cast %scan3A_682 : i32 to index
        %swap3A_831 = arith.constant 16 : index
        %swap3A_832 = tpu.vector_load %arg8[%swap3A_829, %swap3A_830, %swap3A_831] {strides = array<i32>} : memref<2x512x64xf32, #tpu.memory_space<vmem>>, vector<1x1x16xf32>,
        %swap3A_833 = vector.shape_cast %swap3A_832 : vector<1x1x16xf32> to vector<16xf32>
        %swap3A_834 = vector.shape_cast %add3A_828 : vector<16xf32> to vector<1x1x16xf32>
        tpu.vector_store %arg8[%swap3A_829, %swap3A_830, %swap3A_831], %swap3A_834 {strides = array<i32>} : memref<2x512x64xf32, #tpu.memory_space<vmem>>, vector<1x1x16xf32>,
        %sub3A_835 = arith.subf %get3A_697, %mul3A_743 : vector<16xf32>
        %mul3A_836 = arith.mulf %mul3A_814, %get3A_15 : vector<16xf32>
        %mul3A_837 = arith.mulf %sub3A_835, %mul3A_836 : vector<16xf32>
        %add3A_838 = arith.addf %mul3A_837, %get3A_35 : vector<16xf32>
        %swap3A_839 = arith.index_cast %and3A_127 : i32 to index
        %swap3A_840 = arith.index_cast %scan3A_682 : i32 to index
        %swap3A_841 = arith.constant 32 : index
        %swap3A_842 = tpu.vector_load %arg8[%swap3A_839, %swap3A_840, %swap3A_841] {strides = array<i32>} : memref<2x512x64xf32, #tpu.memory_space<vmem>>, vector<1x1x16xf32>,
        %swap3A_843 = vector.shape_cast %swap3A_842 : vector<1x1x16xf32> to vector<16xf32>
        %swap3A_844 = vector.shape_cast %add3A_838 : vector<16xf32> to vector<1x1x16xf32>
        tpu.vector_store %arg8[%swap3A_839, %swap3A_840, %swap3A_841], %swap3A_844 {strides = array<i32>} : memref<2x512x64xf32, #tpu.memory_space<vmem>>, vector<1x1x16xf32>,
        %sub3A_845 = arith.subf %get3A_702, %mul3A_743 : vector<16xf32>
        %mul3A_846 = arith.mulf %mul3A_814, %get3A_20 : vector<16xf32>
        %mul3A_847 = arith.mulf %sub3A_845, %mul3A_846 : vector<16xf32>
        %add3A_848 = arith.addf %mul3A_847, %get3A_40 : vector<16xf32>
        %swap3A_849 = arith.index_cast %and3A_127 : i32 to index
        %swap3A_850 = arith.index_cast %scan3A_682 : i32 to index
        %swap3A_851 = arith.constant 48 : index
        %swap3A_852 = tpu.vector_load %arg8[%swap3A_849, %swap3A_850, %swap3A_851] {strides = array<i32>} : memref<2x512x64xf32, #tpu.memory_space<vmem>>, vector<1x1x16xf32>,
        %swap3A_853 = vector.shape_cast %swap3A_852 : vector<1x1x16xf32> to vector<16xf32>
        %swap3A_854 = vector.shape_cast %add3A_848 : vector<16xf32> to vector<1x1x16xf32>
        tpu.vector_store %arg8[%swap3A_849, %swap3A_850, %swap3A_851], %swap3A_854 {strides = array<i32>} : memref<2x512x64xf32, #tpu.memory_space<vmem>>, vector<1x1x16xf32>,
      }
      %scan3A_151 = arith.constant 512 : i32
      %mul3A_152 = arith.constant 512 : i32
      %mul3A_153 = arith.muli %scan3A_126, %mul3A_152 : i32
      %add3A_154 = arith.addi %mul3A_42, %mul3A_153 : i32
      %dma_start3A_155 = arith.constant 0 : i32
      %dma_start3A_156 = arith.constant 0 : i32
      %dma_start3A_157 = tpu.memref_slice %arg8[%and3A_127, %dma_start3A_155, %dma_start3A_156] : memref<2x512x64xf32, #tpu.memory_space<vmem>> -> memref<1x512x64xf32, #tpu.memory_space<vmem>>
      %dma_start3A_158 = tpu.memref_squeeze %dma_start3A_157 : memref<1x512x64xf32, #tpu.memory_space<vmem>> -> memref<512x64xf32, #tpu.memory_space<vmem>>
      %dma_start3A_159 = arith.constant 0 : i32
      %dma_start3A_160 = tpu.memref_slice %arg6[%add3A_154, %dma_start3A_159] : memref<819200x64xf32, #tpu.memory_space<hbm>> -> memref<512x64xf32, #tpu.memory_space<hbm>>
      %dma_start3A_161 = arith.constant 0 : i32
      %dma_start3A_162 = tpu.memref_slice %arg6[%add3A_154, %dma_start3A_161] : memref<819200x64xf32, #tpu.memory_space<hbm>> -> memref<512x64xf32, #tpu.memory_space<hbm>>
      %dma_start3A_163 = arith.constant 0 : i32
      %dma_start3A_164 = arith.constant 0 : i32
      %dma_start3A_165 = tpu.memref_slice %arg8[%and3A_127, %dma_start3A_163, %dma_start3A_164] : memref<2x512x64xf32, #tpu.memory_space<vmem>> -> memref<1x512x64xf32, #tpu.memory_space<vmem>>
      %dma_start3A_166 = tpu.memref_squeeze %dma_start3A_165 : memref<1x512x64xf32, #tpu.memory_space<vmem>> -> memref<512x64xf32, #tpu.memory_space<vmem>>
      tpu.enqueue_dma source(%dma_start3A_166 : memref<512x64xf32, #tpu.memory_space<vmem>>) target(%dma_start3A_162 : memref<512x64xf32, #tpu.memory_space<hbm>>) target_semaphore(%arg11 : memref<!tpu.dma_semaphore, #tpu.memory_space<semaphore_mem>>)
    }
    %scan3A_96 = arith.constant 50 : i32
    %dma_wait3A = arith.constant 0 : i32
    %dma_wait3A_97 = arith.constant 0 : i32
    %dma_wait3A_98 = arith.constant 0 : i32
    %dma_wait3A_99 = tpu.memref_slice %arg8[%dma_wait3A, %dma_wait3A_97, %dma_wait3A_98] : memref<2x512x64xf32, #tpu.memory_space<vmem>> -> memref<1x512x64xf32, #tpu.memory_space<vmem>>
    %dma_wait3A_100 = tpu.memref_squeeze %dma_wait3A_99 : memref<1x512x64xf32, #tpu.memory_space<vmem>> -> memref<512x64xf32, #tpu.memory_space<vmem>>
    %dma_wait3A_101 = arith.constant 0 : i32
    %dma_wait3A_102 = arith.constant 0 : i32
    %dma_wait3A_103 = tpu.memref_slice %arg6[%dma_wait3A_101, %dma_wait3A_102] : memref<819200x64xf32, #tpu.memory_space<hbm>> -> memref<512x64xf32, #tpu.memory_space<hbm>>
    %dma_wait3A_104 = arith.constant 0 : i32
    %dma_wait3A_105 = arith.constant 0 : i32
    %dma_wait3A_106 = tpu.memref_slice %arg6[%dma_wait3A_104, %dma_wait3A_105] : memref<819200x64xf32, #tpu.memory_space<hbm>> -> memref<512x64xf32, #tpu.memory_space<hbm>>
    %dma_wait3A_107 = arith.constant 0 : i32
    %dma_wait3A_108 = arith.constant 0 : i32
    %dma_wait3A_109 = tpu.memref_slice %arg8[%dma_wait3A, %dma_wait3A_107, %dma_wait3A_108] : memref<2x512x64xf32, #tpu.memory_space<vmem>> -> memref<1x512x64xf32, #tpu.memory_space<vmem>>
    %dma_wait3A_110 = tpu.memref_squeeze %dma_wait3A_109 : memref<1x512x64xf32, #tpu.memory_space<vmem>> -> memref<512x64xf32, #tpu.memory_space<vmem>>
    tpu.wait_dma2 semaphore(%arg11 : memref<!tpu.dma_semaphore, #tpu.memory_space<semaphore_mem>>) src(%dma_wait3A_110 : memref<512x64xf32, #tpu.memory_space<vmem>>) dst(%dma_wait3A_106 : memref<512x64xf32, #tpu.memory_space<hbm>>)
    %dma_wait3A_111 = arith.constant 1 : i32
    %dma_wait3A_112 = arith.constant 0 : i32
    %dma_wait3A_113 = arith.constant 0 : i32
    %dma_wait3A_114 = tpu.memref_slice %arg8[%dma_wait3A_111, %dma_wait3A_112, %dma_wait3A_113] : memref<2x512x64xf32, #tpu.memory_space<vmem>> -> memref<1x512x64xf32, #tpu.memory_space<vmem>>
    %dma_wait3A_115 = tpu.memref_squeeze %dma_wait3A_114 : memref<1x512x64xf32, #tpu.memory_space<vmem>> -> memref<512x64xf32, #tpu.memory_space<vmem>>
    %dma_wait3A_116 = arith.constant 0 : i32
    %dma_wait3A_117 = arith.constant 0 : i32
    %dma_wait3A_118 = tpu.memref_slice %arg6[%dma_wait3A_116, %dma_wait3A_117] : memref<819200x64xf32, #tpu.memory_space<hbm>> -> memref<512x64xf32, #tpu.memory_space<hbm>>
    %dma_wait3A_119 = arith.constant 0 : i32
    %dma_wait3A_120 = arith.constant 0 : i32
    %dma_wait3A_121 = tpu.memref_slice %arg6[%dma_wait3A_119, %dma_wait3A_120] : memref<819200x64xf32, #tpu.memory_space<hbm>> -> memref<512x64xf32, #tpu.memory_space<hbm>>
    %dma_wait3A_122 = arith.constant 0 : i32
    %dma_wait3A_123 = arith.constant 0 : i32
    %dma_wait3A_124 = tpu.memref_slice %arg8[%dma_wait3A_111, %dma_wait3A_122, %dma_wait3A_123] : memref<2x512x64xf32, #tpu.memory_space<vmem>> -> memref<1x512x64xf32, #tpu.memory_space<vmem>>
    %dma_wait3A_125 = tpu.memref_squeeze %dma_wait3A_124 : memref<1x512x64xf32, #tpu.memory_space<vmem>> -> memref<512x64xf32, #tpu.memory_space<vmem>>
    tpu.wait_dma2 semaphore(%arg11 : memref<!tpu.dma_semaphore, #tpu.memory_space<semaphore_mem>>) src(%dma_wait3A_125 : memref<512x64xf32, #tpu.memory_space<vmem>>) dst(%dma_wait3A_121 : memref<512x64xf32, #tpu.memory_space<hbm>>)
    return
  }
}

</mosaic_0001>

<sc_bundles>
// kernel: kernel.3.cloned.1.call-start
scs
__scs_entry_jumppad:
0x0: {  	(pc) =	sbr.rel $0x88, $3  }
0x1: {  	(tag) =	ssettag $0x0;
	lr =	simm.s32 $0x1  }
0x2: {  	[smem:$0x3F9D] =	sst lr;
	_ =	strace $0xD0000000  }
0x3: {  	_ = 	snop  }
0x4: {  	_ = 	snop  }
0x5: {  	_ = 	snop  }
0x6: {  	_ = 	snop  }
0x7: {  	_ = 	snop  }
__scs_overlays_trampoline_lowered:
0x8: {  	[smem:$0x3FAC] =	sst s0  }
0x9: {  	[smem:$0x3FAD] =	sst s1  }
0xa: {  	[smem:$0x3FAE] =	sst s2  }
0xb: {  	[smem:$0x3FAF] =	sst s3  }
0xc: {  	[smem:$0x3FB0] =	sst s4  }
0xd: {  	[smem:$0x3FB1] =	sst s5  }
0xe: {  	[smem:$0x3FB2] =	sst s6  }
0xf: {  	[smem:$0x3FB3] =	sst s7  }
0x10: {  	[smem:$0x3FB4] =	sst s8  }
0x11: {  	[smem:$0x3FB5] =	sst s9;
	s0 =	simm.s32 @!p0 $0x0  }
0x12: {  	s1 =	sld [smem:$0x3F9B];
	s0 =	simm.s32 @p0 $0x1  }
0x13: {  	[smem:$0x3FB6] =	sst s0;
	s0 =	simm.s32 @!p1 $0x0  }
0x14: {  	s2 =	sld [smem:$0x3F9A];
	s0 =	simm.s32 @p1 $0x1  }
0x15: {  	[smem:$0x3FB7] =	sst s0;
	s0 =	simm.s32 @!p2 $0x0  }
0x16: {  	s3 =	sld [smem:$0x3FDB];
	s0 =	simm.s32 @p2 $0x1  }
0x17: {  	s4 =	simm.s32 $0x1BF5;
	[smem:$0x3FB9] =	sst s0  }
0x18: {  	s0 =	sld [smem:$0x3F9C];
	_ =	swait.ge [sflag:s4], $0x0  }
0x19: {  	s7 =	sld [smem:$0x3F9D]  }
0x1a: {  	s8 =	sadd.s32 $0xFFFFE003, lr  }
0x1b: {  	s9 =	sadd.s32 $0xFFFFFEF7, lr;
	s5 =	simm.s32 $0xFFFFFFFF;
	p2 =	slt.u32 s8, $0xFFFFF086  }
0x1c: {  	p1 =	slt.u32 s9, $0xF7A;
	s5 =	simm.s32 @!p2 $0x0  }
0x1d: {  	s5 =	simm.s32 @p1 $0x1;
	p0 =	seq.s32 s7, s2  }
0x1e: {  	s7 =	smul.u32 @!p0 $0xF7A, s2;
	p2 =	seq.s32 @!p0 s5, $0x0  }
0x1f: {  	s9 =	smul.u32 $0xF7A, s1;
	s8 =	simm.s32 @!p0 $0x1BF5;
	p2 =	por !p2, p0  }
0x20: {  	[sflag:s8] =	ssyncset.s32 @!p0 $0xFFFFF086;
	s6 =	sadd.s32 @!p0 s3, s7;
	s7 =	simm.s32 @!p0 $0x108  }
0x21: {  	s3 =	sadd.s32 s3, s9;
	s6 =	sadd.s32 @!p0 $0x88, s6;
	s7 =	simm.s32 @p2 $0x1082  }
0x22: {  	[simem:s7], [sflag:s8] =	dma.local @!p0 [hbm:s6], $0xF7A  }
0x23: {  	s9 =	sor.u32 $0xD0000000, s2;
	s6 =	simm.s32 $0x108;
	_ =	swait.ge @!p0 [sflag:s8], $0x0  }
0x24: {  	s3 =	sadd.s32 $0x88, s3;
	s6 =	simm.s32 @!p1 $0x1082;
	[sflag:s4] =	ssyncset.s32 $0xFFFFF086  }
0x25: {  	[simem:s6], [sflag:s4] =	dma.local [hbm:s3], $0xF7A  }
0x26: {  	[smem:$0x3F9D] =	sst s1;
	(tag) =	ssettag s2;
	_ =	strace s9  }
0x27: {  	s1 =	sld [smem:$0x3FAD]  }
0x28: {  	s2 =	sld [smem:$0x3FAE]  }
0x29: {  	s4 =	sld [smem:$0x3FB0]  }
0x2a: {  	p0 =	seq.s32 s5, $0x0;
	s5 =	sld [smem:$0x3FB1]  }
0x2b: {  	s6 =	sld [smem:$0x3FB2]  }
0x2c: {  	s7 =	sld [smem:$0x3FB3]  }
0x2d: {  	s3 =	simm.s32 $0x108;
	s8 =	sld [smem:$0x3FB4]  }
0x2e: {  	s3 =	simm.s32 @!p0 $0x1082;
	s9 =	sld [smem:$0x3FB5]  }
0x2f: {  	lr =	sadd.s32 s0, s3;
	s0 =	sld [smem:$0x3FAC]  }
0x30: {  	s3 =	sld [smem:$0x3FAF]  }
0x31: {  	[smem:$0x3FB8] =	sst s10  }
0x32: {  	s10 =	sld [smem:$0x3FB6];
	_ =	sdelay $0x3  }
0x33: {  	p0 =	seq.s32 s10, $0x1;
	s10 =	sld [smem:$0x3FB8];
	_ =	sdelay $0x3  }
0x34: {  	[smem:$0x3FB8] =	sst s10  }
0x35: {  	s10 =	sld [smem:$0x3FB7];
	_ =	sdelay $0x3  }
0x36: {  	p1 =	seq.s32 s10, $0x1;
	s10 =	sld [smem:$0x3FB8];
	_ =	sdelay $0x3  }
0x37: {  	[smem:$0x3FB8] =	sst s10  }
0x38: {  	s10 =	sld [smem:$0x3FB9]  }
0x39: {  	_ = 	snop;
	(pc) =	sbr.ind lr, $3  }
0x3a: {  	_ = 	snop  }
0x3b: {  	_ = 	snop  }
0x3c: {  	p2 =	seq.s32 s10, $0x1;
	s10 =	sld [smem:$0x3FB8]  }
0x3d: {  	_ =	shalt  }
0x3e: {  	_ =	shalt  }
0x3f: {  	_ =	shalt  }
0x40: {  	_ =	shalt  }
0x41: {  	_ =	shalt  }
0x42: {  	_ =	shalt  }
0x43: {  	_ =	shalt  }
0x44: {  	_ =	shalt  }
0x45: {  	_ =	shalt  }
0x46: {  	_ =	shalt  }
0x47: {  	_ =	shalt  }
0x48: {  	_ =	shalt  }
0x49: {  	_ =	shalt  }
0x4a: {  	_ =	shalt  }
0x4b: {  	_ =	shalt  }
0x4c: {  	_ =	shalt  }
0x4d: {  	_ =	shalt  }
0x4e: {  	_ =	shalt  }
0x4f: {  	_ =	shalt  }
0x50: {  	_ =	shalt  }
0x51: {  	_ =	shalt  }
0x52: {  	_ =	shalt  }
0x53: {  	_ =	shalt  }
0x54: {  	_ =	shalt  }
0x55: {  	_ =	shalt  }
0x56: {  	_ =	shalt  }
0x57: {  	_ =	shalt  }
0x58: {  	_ =	shalt  }
0x59: {  	_ =	shalt  }
0x5a: {  	_ =	shalt  }
0x5b: {  	_ =	shalt  }
0x5c: {  	_ =	shalt  }
0x5d: {  	_ =	shalt  }
0x5e: {  	_ =	shalt  }
0x5f: {  	_ =	shalt  }
0x60: {  	_ =	shalt  }
0x61: {  	_ =	shalt  }
0x62: {  	_ =	shalt  }
0x63: {  	_ =	shalt  }
0x64: {  	_ =	shalt  }
0x65: {  	_ =	shalt  }
0x66: {  	_ =	shalt  }
0x67: {  	_ =	shalt  }
0x68: {  	_ =	shalt  }
0x69: {  	_ =	shalt  }
0x6a: {  	_ =	shalt  }
0x6b: {  	_ =	shalt  }
0x6c: {  	_ =	shalt  }
0x6d: {  	_ =	shalt  }
0x6e: {  	_ =	shalt  }
0x6f: {  	_ =	shalt  }
0x70: {  	_ =	shalt  }
0x71: {  	_ =	shalt  }
0x72: {  	_ =	shalt  }
0x73: {  	_ =	shalt  }
0x74: {  	_ =	shalt  }
0x75: {  	_ =	shalt  }
0x76: {  	_ =	shalt  }
0x77: {  	_ =	shalt  }
0x78: {  	_ =	shalt  }
0x79: {  	_ =	shalt  }
0x7a: {  	_ =	shalt  }
0x7b: {  	_ =	shalt  }
0x7c: {  	_ =	shalt  }
0x7d: {  	_ =	shalt  }
0x7e: {  	_ =	shalt  }
0x7f: {  	_ =	shalt  }
0x80: {  	_ =	shalt  }
0x81: {  	_ =	shalt  }
0x82: {  	_ =	shalt  }
0x83: {  	_ =	shalt  }
0x84: {  	_ =	shalt  }
0x85: {  	_ =	shalt  }
0x86: {  	_ =	shalt  }
0x87: {  	_ =	shalt  }
.Lfunc_end0:
.L_simem_size_0:
called_computation.1_lowered:
.L_overlay_start_0:
0x88: {  	s2 =	sld [smem:$0x3FD9]  }
0x89: {  	s3 =	sld [smem:$0x3FFE];
	_ =	sdelay $0x1  }
0x8a: {  	s1 =	srdreg.scid  }
0x8b: {  	s0 =	sand.u32 $0x1, s1  }
0x8c: {  	s17 =	sshll.u32 s0, $0xA;
	s2 =	sadd.s32 s3, s2  }
0x8d: {  	s2 =	sadd.s32 s2, s17  }
0x8e: {  	[smem:$0x3FC4] =	sst s2  }
0x8f: {  	_ = 	snop  }
0x90: {  	s2 =	sld [smem:$0x3FC7]  }
0x91: {  	s18 =	sld [smem:$0x3FC6]  }
0x92: {  	s4 =	sld [smem:$0x3FD0];
	(tm) =	ssettm $0x1  }
0x93: {  	s5 =	sld [smem:$0x3FFB];
	_ =	sdelay $0x3  }
0x94: {  	_ =	strace s5  }
0x95: {  	s5 =	sld [smem:$0x3FFC];
	_ =	sdelay $0x3  }
0x96: {  	_ =	strace s5  }
0x97: {  	s5 =	sld [smem:$0x3FFD];
	_ =	sdelay $0x3  }
0x98: {  	_ =	strace s5  }
0x99: {  	_ =	strace $0x8FFFFFFF  }
0x9a: {  	s19 =	sld [smem:$0x3FDB];
	_ =	sdelay $0x1  }
0x9b: {  	s6 =	simm.s32 $_scs_section_size  }
0x9c: {  	s7 =	simm.s32 $_size__tile_overlayer_lowered;
	s8 =	simm.s32 $_tile_overlayer_lowered  }
0x9d: {  	s22 =	simm.s32 $0x1BFF;
	s21 =	sshll.u32 s8, $0x1;
	s5 =	sadd.s32 s6, s19  }
0x9e: {  	s9 =	simm.s32 $0x0;
	s20 =	sshll.u32 s7, $0x1;
	s7 =	sadd.s32 s21, s5  }
0x9f: {  	[timem:s9], [sflag:s22] =	dma.local [hbm:s7], s20  }
0xa0: {  	_ =	swait.ge [sflag:s22], s20  }
0xa1: {  	s6 =	ssub.s32 $0x0, s20;
	[sflag:s22] =	ssyncset.done $0x0  }
0xa2: {  	[sflag:s22] =	ssyncadd.s32 s6;
	_ =	sdelay $0x1  }
0xa3: {  	s23 =	simm.s32 $0x1B8B  }
0xa4: {  	_ =	swait.ge [sflag:s23], $0x1  }
0xa5: {  	[sflag:s23] =	ssyncset.done $0x0  }
0xa6: {  	s25 =	simm.s32 $0x1B8E;
	s24 =	sld [smem:$0x3FFE];
	[sflag:s23] =	ssyncadd.s32 $0xFFFFFFFF  }
0xa7: {  	s26 =	simm.s32 $execute0_lowered;
	[smem:$0x3FD2] =	sst s25  }
0xa8: {  	s7 =	sshll.u32 s26, $0x1;
	_ =	strace $0x80000046;
	[dreg:$0x1] =	wrdreg $0xFFFFFFFF  }
0xa9: {  	s28 =	simm.s32 $_size_execute0_lowered;
	s5 =	sadd.s32 s5, s7;
	[dreg:$0x0] =	wrdreg $0x0  }
0xaa: {  	s7 =	sshll.u32 s28, $0x1;
	[dreg:$0x2] =	wrdreg s5  }
0xab: {  	[dreg:$0x3] =	wrdreg s7  }
0xac: {  	[dreg:$0x4] =	wrdreg $0xC0  }
0xad: {  	_ =	task [dreg:s9], $0x5FFFF  }
0xae: {  	[dreg:$0x1] =	wrdreg $0xFFFFFFFF  }
0xaf: {  	[dreg:$0x0] =	wrdreg $0x60  }
0xb0: {  	[dreg:$0x2] =	wrdreg s24  }
0xb1: {  	[dreg:$0x3] =	wrdreg s2  }
0xb2: {  	[dreg:$0x4] =	wrdreg s18  }
0xb3: {  	[dreg:$0x5] =	wrdreg s4  }
0xb4: {  	[dreg:$0x6] =	wrdreg $0x9  }
0xb5: {  	_ =	task.clear_ibuf [dreg:s9], $0x7FFFF;
	_ =	strace $0x90000046  }
0xb6: {  	s29 =	simm.s32 $0x9;
	_ =	strace $0x80000048  }
0xb7: {  	_ =	swait.ge [sflag:s29], $0x1  }
0xb8: {  	[sflag:s29] =	ssyncadd.s32 $0xFFFFFFFF  }
0xb9: {  	_ =	strace $0x90000048  }
0xba: {  	_ =	sfence  }
0xbb: {  	s30 =	sld [smem:$0x0];
	_ =	sdelay $0x2  }
0xbc: {  	s31 =	sshll.u32 s1, $0xD;
	s1 =	sshrl.u32 s1, $0x2  }
0xbd: {  	s3 =	sand.u32 $0x4000, s31;
	s1 =	sadd.s32 s1, s30  }
0xbe: {  	s0 =	sor.u32 s3, s0;
	s1 =	sshll.u32 s1, $0x11  }
0xbf: {  	s0 =	sor.u32 s1, s0  }
0xc0: {  	s0 =	sadd.s32 $0x8F2B, s0  }
0xc1: {  	[sflag:s0] =	ssyncadd.remote.s32 $0x1  }
0xc2: {  	_ =	sfence.sel $0xFFFF  }
0xc3: {  	[dreg:$0x0] =	wrdreg $0xFFFFFFFF;
	(pc) =	sbr.abs _section_cstart, $3  }
0xc4: {  	[dreg:$0x1] =	wrdreg $0xFFFFFFFF  }
0xc5: {  	_ =	task.clear_ibuf [dreg:s9], $0x2FFFF;
	_ =	strace $0x9FFFFFFF  }
0xc6: {  	(tm) =	ssettm $0x7FFFFFFF  }
0xc7: {  	_ =	shalt  }
tec
execute0_lowered:
.L_overlay_start_1:
0x0: {  	(tag) =	ssettag $0x1  }
0x1: {  	s6 =	rddreg [dreg:$0x0]  }
0x2: {  	v0 =	vimm.s32 $0xFEDCBA98;
	s1 =	rddreg [dreg:$0x1];
	s3 =	srdreg.scid;
	v1 =	vimm.s32 $0x76543210;
	v2 =	vimm.s32 $0xBA98FEDC  }
0x3: {  	s0 =	stileid.u32;
	s2 =	rddreg [dreg:$0x2];
	v3 =	vimm.s32 $0x32107654;
	v4 =	vimm.s32 $0xDCFE98BA;
	v5 =	vimm.s32 $0x54761032  }
0x4: {  	s4 =	simm.s32 $0x0;
	v6 =	vimm.s32 $0xEFCDAB89;
	v7 =	vimm.s32 $0x67452301;
	s11 =	simm.s32 $0x3;
	s12 =	simm.s32 $0x16440  }
0x5: {  	s13 =	simm.s32 $0x80;
	s14 =	simm.s32 $0x6400;
	s15 =	simm.s32 $0x8400;
	v0 =	vunpack.c.l.s4.s8 v0;
	v1 =	vunpack.c.l.s4.s8 v1;
	v2 =	vunpack.c.l.s4.s8 v2  }
0x6: {  	s16 =	simm.s32 $0x100;
	s17 =	simm.s32 $0xA400;
	s18 =	simm.s32 $0x180;
	v3 =	vunpack.c.l.s4.s8 v3;
	v4 =	vunpack.c.l.s4.s8 v4;
	v5 =	vunpack.c.l.s4.s8 v5  }
0x7: {  	s19 =	simm.s32 $0xC400;
	s20 =	simm.s32 $0x1;
	s21 =	simm.s32 $0x2;
	v6 =	vunpack.c.l.s4.s8 v6;
	v7 =	vunpack.c.l.s4.s8 v7;
	v0 =	vunpack.c.0.s8.s32 v0  }
0x8: {  	s7 =	sand.u32 $0x1, s3;
	s5 =	sshll.u32 s0, $0x1;
	s3 =	rddreg [dreg:$0x3];
	v2 =	vunpack.c.0.s8.s32 v2;
	v3 =	vunpack.c.0.s8.s32 v3;
	v4 =	vunpack.c.0.s8.s32 v4  }
0x9: {  	s22 =	simm.s32 $0x0;
	[smem:$0x7FF] =	sst s4;
	s8 =	sor.u32 s7, s5;
	v5 =	vunpack.c.0.s8.s32 v5;
	v6 =	vunpack.c.0.s8.s32 v6;
	v7 =	vunpack.c.0.s8.s32 v7  }
0xa: {  	s5 =	rddreg [dreg:$0x4];
	s7 =	ssub.s32 $0x2, s7;
	s9 =	smul.u32 $0xC80, s8;
	v1 =	vunpack.c.0.s8.s32 v1;
	v2 =	vcombine.low v3, v2  }
0xb: {  	_ =	strace $0x80000047;
	s10 =	sshrl.u32 s7, $0x1;
	s8 =	smul.u32 $0x190000, s8;
	v3 =	vcombine.low v5, v4;
	v4 =	vcombine.low v7, v6;
	v0 =	vand.u32 $0xF, v0  }
0xc: {  	s10 =	ssub.s32 s7, s10;
	s9 =	sadd.s32 s9, s6;
	s6 =	sadd.s32 $0xF42E00, s6;
	v0 =	vcombine.low v0, v1  }
0xd: {  	s7 =	sadd.s32 $0xA00, s9;
	s9 =	smax.u32 s10, $0x1;
	s10 =	simm.s32 $0x16400;
	v1 =	vand.u32 $0xF, v2;
	v2 =	vand.u32 $0xF, v3;
	v3 =	vand.u32 $0xF, v4  }
.LBB2_1:
0xe: {  	[tilespmem:s10], [sflag:$0x3] =	stream.linear.gather [hbm4b:s1+s4], $0x40, $0x38;
	[tilespmem:$0x16480] =	vst v63  }
0xf: {  	_ =	swait.ge [sflag:s11], $0x40  }
0x10: {  	[sflag:s11] =	ssyncset.done $0x0  }
0x11: {  	[sflag:s11] =	ssyncadd.s32 $0xFFFFFFC0  }
0x12: {  	[tilespmem:s12], [sflag:$0x3] =	stream.linear.gather [hbm4b:s2+s4], $0x40, $0x38;
	[tilespmem:$0x16480] =	vst v63  }
0x13: {  	_ =	swait.ge [sflag:s11], $0x40  }
0x14: {  	[sflag:s11] =	ssyncset.done $0x0  }
0x15: {  	[sflag:s11] =	ssyncadd.s32 $0xFFFFFFC0  }
0x16: {  	v4 =	vld [tilespmem:$0x16400]  }
0x17: {  	v5 =	vld [tilespmem:$0x16410]  }
0x18: {  	v6 =	vld [tilespmem:$0x16420]  }
0x19: {  	v7 =	vld [tilespmem:$0x16430]  }
0x1a: {  	v8 =	vld [tilespmem:$0x16440]  }
0x1b: {  	v9 =	vld [tilespmem:$0x16450]  }
0x1c: {  	v10 =	vld [tilespmem:$0x16460]  }
0x1d: {  	v11 =	vld [tilespmem:$0x16470];
	[tilespmem:s4], [sflag:$0x3] =	stream.linear.gather [hbm4b:s7+s4], $0x6400, $0x38  }
0x1e: {  	_ =	swait.ge [sflag:s11], $0x6400  }
0x1f: {  	[sflag:s11] =	ssyncset.done $0x0  }
0x20: {  	[sflag:s11] =	ssyncadd.s32 $0xFFFF9C00  }
0x21: {  	[tilespmem:s14], [sflag:$0x1] =	stream.indirect.gather [hbm4b:s6+s13], $0x40, s4, s13, $0xb8;
	[tilespmem:$0x16480] =	vst v63  }
0x22: {  	_ = 	snop  }
0x23: {  	[tilespmem:s15], [sflag:$0x1] =	stream.indirect.gather [hbm4b:s6+s13], $0x40, s13, s13, $0xb8;
	[tilespmem:$0x16480] =	vst v63  }
0x24: {  	_ = 	snop  }
0x25: {  	[tilespmem:s17], [sflag:$0x1] =	stream.indirect.gather [hbm4b:s6+s13], $0x40, s16, s13, $0xb8;
	[tilespmem:$0x16480] =	vst v63  }
0x26: {  	p0 =	por $0x0, $0x0;
	s25 =	simm.s32 $0x0  }
0x27: {  	[tilespmem:s19], [sflag:$0x1] =	stream.indirect.gather [hbm4b:s6+s13], $0x40, s18, s13, $0xb8;
	[tilespmem:$0x16480] =	vst v63  }
.LBB2_2:
0x28: {  	p1 =	seq.s32 s25, $0x0  }
.Ltmp0:
0x29: {  	_ = 	snop;
	(pc) =	sbr.rel @p1 .LBB2_5-.Ltmp0, $4  }
0x2a: {  	_ = 	snop  }
0x2b: {  	_ =	swait.ge [sflag:s20], $0x8000  }
0x2c: {  	s24 =	sshll.u32 s25, $0xF;
	[sflag:s20] =	ssyncset.done $0x0  }
0x2d: {  	s23 =	sadd.s32 $0x1, s25;
	s26 =	sand.u32 $0x8000, s24;
	[sflag:s20] =	ssyncadd.s32 $0xFFFF8000  }
0x2e: {  	p1 =	seq.s32 s25, $0x31  }
.Ltmp1:
0x2f: {  	_ = 	snop;
	(pc) =	sbr.rel @p1 .LBB2_6-.Ltmp1, $1  }
0x30: {  	_ =	sdelay $0x3  }
0x31: {  	_ =	swait.ge [sflag:s21], $0x8000  }
0x32: {  	[sflag:s21] =	ssyncset.done $0x0  }
0x33: {  	[sflag:s21] =	ssyncadd.s32 $0xFFFF8000  }
.LBB2_5:
0x34: {  	s25 =	sxor.u32 $0x8000, s26;
	s28 =	sshll.u32 s23, $0x9  }
0x35: {  	s25 =	sadd.s32 $0x6400, s25;
	s28 =	sand.u32 $0x3FFFFE00, s28  }
0x36: {  	[tilespmem:s25], [sflag:$0x1] =	stream.indirect.gather [hbm4b:s6+s13], $0x40, s28, s13, $0xb8;
	[tilespmem:$0x16480] =	vst v63  }
0x37: {  	s30 =	ssub.s32 $0x10400, s26;
	s29 =	sor.u32 $0x80, s28  }
0x38: {  	[tilespmem:s30], [sflag:$0x1] =	stream.indirect.gather [hbm4b:s6+s13], $0x40, s29, s13, $0xb8;
	[tilespmem:$0x16480] =	vst v63  }
0x39: {  	s31 =	ssub.s32 $0x12400, s26;
	s30 =	sor.u32 $0x100, s28  }
0x3a: {  	[tilespmem:s31], [sflag:$0x1] =	stream.indirect.gather [hbm4b:s6+s13], $0x40, s30, s13, $0xb8;
	[tilespmem:$0x16480] =	vst v63  }
0x3b: {  	s28 =	sor.u32 $0x180, s28;
	s31 =	ssub.s32 $0x14400, s26  }
0x3c: {  	[tilespmem:s31], [sflag:$0x1] =	stream.indirect.gather [hbm4b:s6+s13], $0x40, s28, s13, $0xb8;
	[tilespmem:$0x16480] =	vst v63  }
.LBB2_6:
0x3d: {  	s25 =	simm.s32 $0x1  }
0x3e: {  	s25 =	simm.s32 @!p0 $0x0  }
0x3f: {  	s25 =	sshll.u32 s25, $0xF  }
0x40: {  	s25 =	sor.u32 $0x6480, s25  }
0x41: {  	v24 =	vld [tilespmem:s25+$0x70]  }
0x42: {  	v26 =	vld [tilespmem:s25+$0x40]  }
0x43: {  	v20 =	vld [tilespmem:s25+$0x30]  }
0x44: {  	v27 =	vld [tilespmem:s25+$0x50]  }
0x45: {  	v13 =	vld [tilespmem:s25+$0x20]  }
0x46: {  	v21 =	vld [tilespmem:s25+$0xFFFFFFA0]  }
0x47: {  	v12 =	vld [tilespmem:s25+$0x0]  }
0x48: {  	v14 =	vld [tilespmem:s25+$0x10]  }
0x49: {  	v25 =	vld [tilespmem:s25+$0x60]  }
0x4a: {  	v19 =	vld [tilespmem:s25+$0xFFFFFF90]  }
0x4b: {  	v15 =	vld [tilespmem:s25+$0xFFFFFF80]  }
0x4c: {  	v16 =	vld [tilespmem:s25+$0xFFFFFFF0]  }
0x4d: {  	v18 =	vld [tilespmem:s25+$0xFFFFFFB0]  }
0x4e: {  	v17 =	vld [tilespmem:s25+$0xFFFFFFE0];
	v22 =	vmul.f32 v24, v24;
	v23 =	vmul.f32 v27, v27;
	v28 =	vadd.f32 v20, v13  }
0x4f: {  	v29 =	vmul.f32 v13, v13;
	v30 =	vmul.f32 v20, v20;
	v31 =	vadd.f32 v27, v26  }
0x50: {  	v32 =	vmul.f32 v26, v26;
	v33 =	vadd.f32 v14, v12;
	v35 =	vmul.f32 v25, v25  }
0x51: {  	v34 =	vadd.f32 v24, v25;
	v36 =	vmul.f32 v21, v21;
	v55 =	vmul.f32 v19, v19  }
0x52: {  	v56 =	vmul.f32 v14, v14;
	v37 =	vadd.f32 v19, v15;
	v38 =	vmul.f32 v16, v16  }
0x53: {  	v58 =	vmul.f32 v12, v12;
	v40 =	vadd.f32 v18, v21;
	v41 =	vadd.f32 v16, v17  }
0x54: {  	v39 =	vmul.f32 v15, v15;
	v29 =	vadd.f32 v30, v29;
	v30 =	vadd.f32 v23, v32  }
0x55: {  	v42 =	vmul.f32 v17, v17;
	v28 =	vadd.f32 v28, v33;
	v31 =	vadd.f32 v34, v31  }
0x56: {  	v60 =	vmul.f32 v18, v18;
	v57 =	vadd.f32 v22, v35;
	v37 =	vadd.f32 v40, v37  }
0x57: {  	v22 =	vld [tilespmem:s25+$0xFFFFFFD0];
	v33 =	vadd.f32 v56, v58;
	v32 =	vadd.f32 v55, v39  }
0x58: {  	v23 =	vld [tilespmem:s25+$0xFFFFFFC0];
	v38 =	vadd.f32 v38, v42;
	v62 =	vadd.f32 v60, v36  }
0x59: {  	v30 =	vadd.f32 v57, v30;
	v59 =	vperm.xlane v31, v0;
	v61 =	vperm.xlane v28, v0  }
0x5a: {  	v29 =	vadd.f32 v29, v33;
	v48 =	vperm.xlane v37, v0;
	v32 =	vadd.f32 v62, v32  }
0x5b: {  	v31 =	vadd.f32 v31, v59;
	v44 =	vperm.xlane v30, v0;
	v28 =	vadd.f32 v28, v61  }
0x5c: {  	v46 =	vperm.xlane v29, v0;
	v35 =	vadd.f32 v37, v48;
	v53 =	vperm.xlane v32, v0  }
0x5d: {  	v45 =	vadd.f32 v22, v23;
	v47 =	vmul.f32 v22, v22;
	v50 =	vmul.f32 v23, v23  }
0x5e: {  	v63 =	vperm.xlane v31, v1;
	v30 =	vadd.f32 v44, v30;
	v29 =	vadd.f32 v46, v29  }
0x5f: {  	v49 =	vperm.xlane v28, v1;
	v32 =	vadd.f32 v53, v32;
	v36 =	vadd.f32 v41, v45  }
0x60: {  	v55 =	vperm.xlane v35, v1;
	v33 =	vadd.f32 v47, v50;
	v31 =	vadd.f32 v31, v63  }
0x61: {  	v51 =	vperm.xlane v30, v1;
	v52 =	vperm.xlane v29, v1;
	v28 =	vadd.f32 v28, v49  }
0x62: {  	v35 =	vadd.f32 v35, v55;
	v59 =	vperm.xlane v32, v1;
	v58 =	vperm.xlane v36, v0  }
0x63: {  	v33 =	vadd.f32 v38, v33;
	v54 =	vperm.xlane v31, v2;
	v30 =	vadd.f32 v51, v30  }
0x64: {  	v56 =	vperm.xlane v28, v2;
	v61 =	vperm.xlane v35, v2;
	v32 =	vadd.f32 v59, v32  }
0x65: {  	v29 =	vadd.f32 v52, v29;
	v63 =	vperm.xlane v33, v0;
	v36 =	vadd.f32 v36, v58  }
0x66: {  	v31 =	vadd.f32 v31, v54;
	v57 =	vperm.xlane v30, v2;
	v28 =	vadd.f32 v28, v56  }
0x67: {  	v34 =	vadd.f32 v35, v61;
	v45 =	vperm.xlane v32, v2;
	v48 =	vperm.xlane v29, v2  }
0x68: {  	v53 =	vperm.xlane v36, v1;
	v60 =	vperm.xlane v31, v3;
	v30 =	vadd.f32 v57, v30  }
0x69: {  	v33 =	vadd.f32 v63, v33;
	v62 =	vperm.xlane v28, v3;
	v46 =	vperm.xlane v34, v3  }
0x6a: {  	v32 =	vadd.f32 v45, v32;
	v31 =	vadd.f32 v31, v60;
	v44 =	vperm.xlane v30, v3  }
0x6b: {  	v29 =	vadd.f32 v48, v29;
	v47 =	vperm.xlane v33, v1;
	v36 =	vadd.f32 v36, v53  }
0x6c: {  	v28 =	vadd.f32 v28, v62;
	v31 =	vmul.f32 $1.562500000e-02, v31;
	v30 =	vadd.f32 v44, v30  }
0x6d: {  	v49 =	vperm.xlane v32, v3;
	v34 =	vadd.f32 v34, v46;
	v52 =	vperm.xlane v29, v3  }
0x6e: {  	v33 =	vadd.f32 v47, v33;
	v30 =	vmul.f32 $1.562500000e-02, v30;
	v50 =	vmul.f32 v31, v31  }
0x6f: {  	v58 =	vperm.xlane v36, v2;
	v28 =	vmul.f32 $1.562500000e-02, v28;
	v32 =	vadd.f32 v49, v32  }
0x70: {  	v34 =	vmul.f32 $1.562500000e-02, v34;
	v29 =	vadd.f32 v52, v29;
	v30 =	vsub.f32 v30, v50  }
0x71: {  	v51 =	vperm.xlane v33, v2;
	v60 =	vadd.f32 v36, v58;
	v32 =	vmul.f32 $1.562500000e-02, v32  }
0x72: {  	v54 =	vmul.f32 v34, v34;
	v55 =	vmul.f32 v28, v28;
	v30 =	vadd.f32 $9.999999740e-06, v30  }
0x73: {  	v29 =	vmul.f32 $1.562500000e-02, v29;
	v33 =	vadd.f32 v51, v33;
	v63 =	vperm.xlane v60, v3  }
0x74: {  	v32 =	vsub.f32 v32, v54;
	v57 =	vshra.s32 v30, $0x1;
	v30 =	vmul.f32 $5.000000000e-01, v30  }
0x75: {  	v29 =	vsub.f32 v29, v55;
	v56 =	vperm.xlane v33, v3;
	v59 =	vsub.s32 $0x5F3759DF, v57  }
0x76: {  	v35 =	vadd.f32 v60, v63;
	v32 =	vadd.f32 $9.999999740e-06, v32;
	v61 =	vmul.f32 v59, v30  }
0x77: {  	v29 =	vadd.f32 $9.999999740e-06, v29;
	v33 =	vadd.f32 v56, v33  }
0x78: {  	v35 =	vmul.f32 $1.562500000e-02, v35;
	v62 =	vshra.s32 v32, $0x1;
	v36 =	vmul.f32 v59, v61  }
0x79: {  	v32 =	vmul.f32 $5.000000000e-01, v32;
	v44 =	vshra.s32 v29, $0x1;
	v29 =	vmul.f32 $5.000000000e-01, v29  }
0x7a: {  	v37 =	vsub.s32 $0x5F3759DF, v62;
	v45 =	vsub.s32 $0x5F3759DF, v44;
	v36 =	vsub.f32 $1.500000000e+00, v36  }
0x7b: {  	v46 =	vmul.f32 v37, v32;
	v47 =	vmul.f32 v45, v29  }
0x7c: {  	v27 =	vsub.f32 v27, v31;
	v33 =	vmul.f32 $1.562500000e-02, v33;
	v36 =	vmul.f32 v59, v36  }
0x7d: {  	v26 =	vsub.f32 v26, v31;
	v48 =	vmul.f32 v37, v46;
	v49 =	vmul.f32 v45, v47  }
0x7e: {  	v50 =	vsub.f32 v24, v31;
	v24 =	vmul.f32 v35, v35;
	v51 =	vmul.f32 v36, v30  }
0x7f: {  	v38 =	vsub.f32 $1.500000000e+00, v48;
	v40 =	vsub.f32 $1.500000000e+00, v49  }
0x80: {  	v25 =	vsub.f32 v25, v31;
	v24 =	vsub.f32 v33, v24;
	v31 =	vmul.f32 v51, v36  }
0x81: {  	v52 =	vsub.f32 v21, v34;
	v37 =	vmul.f32 v37, v38;
	v53 =	vmul.f32 v45, v40  }
0x82: {  	v21 =	vadd.f32 $9.999999740e-06, v24;
	v24 =	vsub.f32 $1.500000000e+00, v31  }
0x83: {  	v39 =	vmul.f32 v53, v29;
	v31 =	vsub.f32 v20, v28;
	v20 =	vmul.f32 v37, v32  }
0x84: {  	v54 =	vshra.s32 v21, $0x1;
	v55 =	vmul.f32 $5.000000000e-01, v21;
	v36 =	vmul.f32 v24, v36  }
0x85: {  	v40 =	vsub.s32 $0x5F3759DF, v54;
	v21 =	vmul.f32 v39, v53;
	v20 =	vmul.f32 v20, v37  }
0x86: {  	v24 =	vsub.f32 v19, v34;
	v19 =	vmul.f32 v40, v55;
	v30 =	vmul.f32 v36, v30  }
0x87: {  	v39 =	vsub.f32 $1.500000000e+00, v21;
	v20 =	vsub.f32 $1.500000000e+00, v20  }
0x88: {  	v43 =	vsub.f32 v14, v28;
	v14 =	vmul.f32 v40, v19;
	v19 =	vmul.f32 v30, v36  }
0x89: {  	v21 =	vsub.f32 v15, v34;
	v20 =	vmul.f32 v20, v37;
	v30 =	vmul.f32 v39, v53  }
0x8a: {  	v15 =	vsub.f32 $1.500000000e+00, v14;
	v19 =	vsub.f32 $1.500000000e+00, v19  }
0x8b: {  	v58 =	vsub.f32 v13, v28;
	v32 =	vmul.f32 v20, v32;
	v29 =	vmul.f32 v30, v29  }
0x8c: {  	v14 =	vsub.f32 v22, v35;
	v22 =	vmul.f32 v40, v15;
	v19 =	vmul.f32 v19, v36  }
0x8d: {  	v15 =	vsub.f32 v23, v35;
	v23 =	vmul.f32 v32, v20;
	v29 =	vmul.f32 v29, v30  }
0x8e: {  	v12 =	vsub.f32 v12, v28;
	v56 =	vmul.f32 v22, v55;
	v57 =	vmul.f32 v19, v5  }
0x8f: {  	v17 =	vsub.f32 v17, v35;
	v13 =	vmul.f32 v19, v7;
	v59 =	vmul.f32 v19, v4  }
0x90: {  	v29 =	vsub.f32 $1.500000000e+00, v29;
	v32 =	vmul.f32 v56, v22;
	v60 =	vmul.f32 v19, v6  }
0x91: {  	v23 =	vsub.f32 $1.500000000e+00, v23;
	v27 =	vmul.f32 v57, v27;
	v26 =	vmul.f32 v59, v26  }
0x92: {  	v32 =	vsub.f32 $1.500000000e+00, v32;
	v61 =	vmul.f32 v13, v50;
	v29 =	vmul.f32 v29, v30  }
0x93: {  	v19 =	vsub.f32 v18, v34;
	v25 =	vmul.f32 v60, v25;
	v13 =	vmul.f32 v23, v20  }
0x94: {  	v23 =	vadd.f32 v27, v9;
	v20 =	vmul.f32 v32, v22;
	v22 =	vmul.f32 v29, v7  }
0x95: {  	v26 =	vadd.f32 v26, v8;
	v18 =	vmul.f32 v29, v4;
	v27 =	vmul.f32 v29, v5  }
0x96: {  	v30 =	vadd.f32 v61, v11;
	v62 =	vmul.f32 v13, v6;
	v63 =	vmul.f32 v29, v6;
	[tilespmem:s25+$0x50] =	vst v23  }
0x97: {  	v29 =	vmul.f32 v13, v5;
	v22 =	vmul.f32 v22, v31;
	[tilespmem:s25+$0x40] =	vst v26;
	v31 =	vadd.f32 v25, v10  }
0x98: {  	v16 =	vsub.f32 v16, v35;
	v23 =	vmul.f32 v20, v55;
	[tilespmem:s25+$0x70] =	vst v30;
	v26 =	vmul.f32 v62, v52  }
0x99: {  	s26 =	sor.u32 $0x6400, s26;
	s28 =	simm.s32 $0x0;
	s29 =	sadd.s32 $0x100, s25;
	v25 =	vmul.f32 v27, v43;
	v27 =	vmul.f32 v63, v58;
	[tilespmem:s25+$0x60] =	vst v31;
	v28 =	vadd.f32 v22, v11  }
.LBB2_7:
0x9a: {  	v22 =	vld [tilespmem:s29+$0x70];
	s28 =	sadd.s32 $0x4, s28;
	v30 =	vmul.f32 v13, v4;
	v31 =	vmul.f32 v23, v20  }
0x9b: {  	v12 =	vmul.f32 v18, v12;
	v23 =	vld [tilespmem:s29+$0x40];
	p1 =	slt.u32 s28, $0x1FC;
	v24 =	vmul.f32 v29, v24;
	v27 =	vadd.f32 v27, v10;
	[tilespmem:s25+$0x30] =	vst v28  }
0x9c: {  	v28 =	vadd.f32 v26, v10;
	v29 =	vmul.f32 v13, v7;
	v18 =	vld [tilespmem:s29+$0x30];
	v31 =	vsub.f32 $1.500000000e+00, v31  }
0x9d: {  	v21 =	vmul.f32 v30, v21;
	v12 =	vadd.f32 v12, v8;
	v26 =	vld [tilespmem:s29+$0x50];
	v30 =	vadd.f32 v24, v9;
	[tilespmem:s25+$0x20] =	vst v27  }
0x9e: {  	v19 =	vmul.f32 v29, v19;
	v13 =	vld [tilespmem:s29+$0x20];
	[tilespmem:s25+$0xFFFFFFA0] =	vst v28;
	v20 =	vmul.f32 v31, v20  }
0x9f: {  	v27 =	vadd.f32 v21, v8;
	v21 =	vadd.f32 v25, v9;
	v24 =	vld [tilespmem:s29+$0xFFFFFFA0];
	[tilespmem:s25+$0x0] =	vst v12  }
0xa0: {  	v28 =	vmul.f32 v22, v22;
	v19 =	vadd.f32 v19, v11;
	v25 =	vld [tilespmem:s29+$0x60];
	[tilespmem:s25+$0xFFFFFF90] =	vst v30;
	v29 =	vmul.f32 v20, v6  }
0xa1: {  	v30 =	vmul.f32 v20, v4;
	v31 =	vmul.f32 v20, v5;
	v12 =	vld [tilespmem:s29+$0x0];
	[tilespmem:s25+$0x10] =	vst v21  }
0xa2: {  	v20 =	vmul.f32 v20, v7;
	v21 =	vld [tilespmem:s29+$0xFFFFFF90];
	[tilespmem:s25+$0xFFFFFFB0] =	vst v19;
	v29 =	vmul.f32 v29, v17  }
0xa3: {  	v33 =	vmul.f32 v26, v26;
	v14 =	vmul.f32 v31, v14;
	v17 =	vld [tilespmem:s29+$0x10];
	v32 =	vadd.f32 v18, v13;
	[tilespmem:s25+$0xFFFFFF80] =	vst v27  }
0xa4: {  	v15 =	vmul.f32 v30, v15;
	v16 =	vmul.f32 v20, v16;
	v19 =	vld [tilespmem:s29+$0xFFFFFFF0];
	v27 =	vadd.f32 v29, v10  }
0xa5: {  	v29 =	vmul.f32 v13, v13;
	v30 =	vadd.f32 v14, v9  }
0xa6: {  	v31 =	vmul.f32 v18, v18;
	v34 =	vadd.f32 v15, v8;
	v14 =	vld [tilespmem:s29+$0xFFFFFF80];
	[tilespmem:s25+$0xFFFFFFE0] =	vst v27  }
0xa7: {  	v35 =	vmul.f32 v23, v23;
	v16 =	vadd.f32 v16, v11;
	v27 =	vadd.f32 v26, v23;
	v20 =	vld [tilespmem:s29+$0xFFFFFFB0];
	[tilespmem:s25+$0xFFFFFFD0] =	vst v30  }
0xa8: {  	v36 =	vadd.f32 v22, v25;
	v37 =	vmul.f32 v25, v25;
	v15 =	vld [tilespmem:s29+$0xFFFFFFE0];
	v30 =	vadd.f32 v17, v12;
	[tilespmem:s25+$0xFFFFFFC0] =	vst v34  }
0xa9: {  	v29 =	vadd.f32 v31, v29;
	v31 =	vadd.f32 v33, v35;
	v34 =	vmul.f32 v24, v24;
	[tilespmem:s25+$0xFFFFFFF0] =	vst v16;
	s25 =	smov.u32 s29  }
0xaa: {  	v33 =	vmul.f32 v21, v21;
	v16 =	vld [tilespmem:s29+$0xFFFFFFD0];
	v30 =	vadd.f32 v32, v30;
	v32 =	vmul.f32 v17, v17  }
0xab: {  	v39 =	vmul.f32 v12, v12;
	v38 =	vmul.f32 v19, v19;
	v35 =	vadd.f32 v21, v14  }
0xac: {  	v28 =	vadd.f32 v28, v37;
	v36 =	vadd.f32 v36, v27;
	v40 =	vmul.f32 v14, v14  }
0xad: {  	v37 =	vadd.f32 v20, v24;
	v41 =	vmul.f32 v20, v20;
	v42 =	vadd.f32 v19, v15  }
0xae: {  	v28 =	vadd.f32 v28, v31;
	v31 =	vperm.xlane v36, v0;
	v43 =	vmul.f32 v15, v15;
	v27 =	vld [tilespmem:s29+$0xFFFFFFC0]  }
0xaf: {  	v32 =	vadd.f32 v32, v39;
	v35 =	vadd.f32 v37, v35;
	v37 =	vmul.f32 v16, v16  }
0xb0: {  	v39 =	vperm.xlane v30, v0;
	v31 =	vadd.f32 v36, v31;
	v33 =	vadd.f32 v33, v40  }
0xb1: {  	v29 =	vadd.f32 v29, v32;
	v38 =	vadd.f32 v38, v43;
	v36 =	vperm.xlane v35, v0  }
0xb2: {  	v40 =	vperm.xlane v28, v0;
	v32 =	vadd.f32 v41, v34;
	v34 =	vperm.xlane v31, v1  }
0xb3: {  	v30 =	vadd.f32 v30, v39;
	v39 =	vperm.xlane v29, v0;
	v41 =	vadd.f32 v16, v27  }
0xb4: {  	v28 =	vadd.f32 v40, v28;
	v31 =	vadd.f32 v31, v34  }
0xb5: {  	v40 =	vperm.xlane v30, v1;
	v29 =	vadd.f32 v39, v29;
	v34 =	vadd.f32 v42, v41  }
0xb6: {  	v32 =	vadd.f32 v32, v33;
	v39 =	vperm.xlane v28, v1;
	v33 =	vmul.f32 v27, v27  }
0xb7: {  	v35 =	vadd.f32 v35, v36;
	v30 =	vadd.f32 v30, v40;
	v36 =	vperm.xlane v29, v1  }
0xb8: {  	v40 =	vperm.xlane v32, v0;
	v28 =	vadd.f32 v39, v28;
	v41 =	vperm.xlane v31, v2  }
0xb9: {  	v39 =	vperm.xlane v35, v1;
	v33 =	vadd.f32 v37, v33;
	v37 =	vperm.xlane v30, v2  }
0xba: {  	v32 =	vadd.f32 v40, v32;
	v40 =	vperm.xlane v28, v2;
	v31 =	vadd.f32 v31, v41  }
0xbb: {  	v35 =	vadd.f32 v35, v39;
	v39 =	vperm.xlane v34, v0;
	v30 =	vadd.f32 v30, v37  }
0xbc: {  	v37 =	vperm.xlane v32, v1;
	v28 =	vadd.f32 v40, v28;
	v41 =	vperm.xlane v31, v3  }
0xbd: {  	v33 =	vadd.f32 v38, v33;
	v40 =	vperm.xlane v35, v2;
	v38 =	vperm.xlane v30, v3  }
0xbe: {  	v32 =	vadd.f32 v37, v32;
	v37 =	vperm.xlane v28, v3;
	v31 =	vadd.f32 v31, v41  }
0xbf: {  	v35 =	vadd.f32 v35, v40;
	v40 =	vperm.xlane v33, v0;
	v30 =	vadd.f32 v30, v38  }
0xc0: {  	v38 =	vperm.xlane v32, v2;
	v28 =	vadd.f32 v37, v28;
	v31 =	vmul.f32 $1.562500000e-02, v31  }
0xc1: {  	v37 =	vperm.xlane v35, v3;
	v33 =	vadd.f32 v40, v33;
	v30 =	vmul.f32 $1.562500000e-02, v30  }
0xc2: {  	v29 =	vadd.f32 v36, v29;
	v32 =	vadd.f32 v38, v32;
	v28 =	vmul.f32 $1.562500000e-02, v28  }
0xc3: {  	v34 =	vadd.f32 v34, v39;
	v36 =	vperm.xlane v33, v1;
	v38 =	vmul.f32 v30, v30  }
0xc4: {  	v35 =	vadd.f32 v35, v37;
	v37 =	vperm.xlane v29, v2;
	v39 =	vmul.f32 v31, v31  }
0xc5: {  	v40 =	vperm.xlane v32, v3;
	v26 =	vsub.f32 v26, v31;
	v33 =	vadd.f32 v36, v33  }
0xc6: {  	v35 =	vmul.f32 $1.562500000e-02, v35;
	v29 =	vadd.f32 v37, v29;
	v36 =	vsub.f32 v28, v39  }
0xc7: {  	v23 =	vsub.f32 v23, v31;
	v32 =	vadd.f32 v40, v32;
	v37 =	vperm.xlane v33, v2  }
0xc8: {  	v39 =	vperm.xlane v34, v1;
	v28 =	vsub.f32 v22, v31;
	v40 =	vperm.xlane v29, v3  }
0xc9: {  	v22 =	vmul.f32 $1.562500000e-02, v32;
	v32 =	vadd.f32 v37, v33;
	v33 =	vadd.f32 $9.999999740e-06, v36  }
0xca: {  	v34 =	vadd.f32 v34, v39;
	v36 =	vmul.f32 v35, v35;
	v29 =	vadd.f32 v40, v29  }
0xcb: {  	v25 =	vsub.f32 v25, v31;
	v37 =	vperm.xlane v32, v3;
	v39 =	vshra.s32 v33, $0x1  }
0xcc: {  	v31 =	vsub.f32 v22, v36;
	v36 =	vperm.xlane v34, v2;
	v29 =	vmul.f32 $1.562500000e-02, v29  }
0xcd: {  	v22 =	vsub.f32 v24, v35;
	v24 =	vadd.f32 v37, v32;
	v32 =	vsub.s32 $0x5F3759DF, v39  }
0xce: {  	v33 =	vmul.f32 $5.000000000e-01, v33;
	v31 =	vadd.f32 $9.999999740e-06, v31;
	v29 =	vsub.f32 v29, v38  }
0xcf: {  	v34 =	vadd.f32 v34, v36;
	v37 =	vsub.f32 v18, v30;
	v36 =	vmul.f32 $1.562500000e-02, v24  }
0xd0: {  	v18 =	vshra.s32 v31, $0x1;
	v24 =	vadd.f32 $9.999999740e-06, v29;
	v29 =	vmul.f32 v32, v33  }
0xd1: {  	v31 =	vmul.f32 $5.000000000e-01, v31;
	v38 =	vperm.xlane v34, v3;
	v18 =	vsub.s32 $0x5F3759DF, v18  }
0xd2: {  	v39 =	vshra.s32 v24, $0x1;
	v40 =	vmul.f32 $5.000000000e-01, v24;
	v29 =	vmul.f32 v32, v29  }
0xd3: {  	v41 =	vmul.f32 v18, v31;
	v34 =	vadd.f32 v34, v38;
	v38 =	vsub.s32 $0x5F3759DF, v39  }
0xd4: {  	v24 =	vsub.f32 v21, v35;
	v39 =	vmul.f32 v38, v40;
	v29 =	vsub.f32 $1.500000000e+00, v29  }
0xd5: {  	v42 =	vsub.f32 v17, v30;
	v41 =	vmul.f32 v18, v41;
	v34 =	vmul.f32 $1.562500000e-02, v34  }
0xd6: {  	v21 =	vsub.f32 v14, v35;
	v39 =	vmul.f32 v38, v39;
	v29 =	vmul.f32 v32, v29  }
0xd7: {  	v32 =	vsub.f32 $1.500000000e+00, v41;
	v41 =	vmul.f32 v34, v34;
	v17 =	vsub.f32 v15, v34  }
0xd8: {  	v14 =	vsub.f32 v16, v34;
	v39 =	vsub.f32 $1.500000000e+00, v39;
	v43 =	vmul.f32 v29, v33  }
0xd9: {  	v15 =	vsub.f32 v27, v34;
	v18 =	vmul.f32 v18, v32;
	v32 =	vsub.f32 v36, v41  }
0xda: {  	v16 =	vsub.f32 v19, v34;
	v27 =	vmul.f32 v38, v39;
	v34 =	vmul.f32 v43, v29  }
0xdb: {  	v36 =	vmul.f32 v18, v31;
	v32 =	vadd.f32 $9.999999740e-06, v32;
	v38 =	vsub.f32 v13, v30  }
0xdc: {  	v19 =	vsub.f32 v20, v35;
	v13 =	vmul.f32 v27, v40;
	v20 =	vsub.f32 $1.500000000e+00, v34  }
0xdd: {  	v34 =	vmul.f32 v36, v18;
	v35 =	vshra.s32 v32, $0x1;
	v32 =	vmul.f32 $5.000000000e-01, v32  }
0xde: {  	v35 =	vsub.s32 $0x5F3759DF, v35;
	v13 =	vmul.f32 v13, v27;
	v20 =	vmul.f32 v20, v29  }
0xdf: {  	v12 =	vsub.f32 v12, v30;
	v29 =	vsub.f32 $1.500000000e+00, v34;
	v34 =	vmul.f32 v35, v32  }
0xe0: {  	v13 =	vsub.f32 $1.500000000e+00, v13;
	v30 =	vmul.f32 v20, v33  }
0xe1: {  	v18 =	vmul.f32 v29, v18;
	v29 =	vmul.f32 v35, v34  }
0xe2: {  	v13 =	vmul.f32 v13, v27;
	v27 =	vmul.f32 v30, v20  }
0xe3: {  	v30 =	vmul.f32 v18, v31;
	v29 =	vsub.f32 $1.500000000e+00, v29  }
0xe4: {  	v31 =	vmul.f32 v13, v40;
	v27 =	vsub.f32 $1.500000000e+00, v27  }
0xe5: {  	v30 =	vmul.f32 v30, v18;
	v29 =	vmul.f32 v35, v29  }
0xe6: {  	v31 =	vmul.f32 v31, v13;
	v20 =	vmul.f32 v27, v20  }
0xe7: {  	v27 =	vsub.f32 $1.500000000e+00, v30;
	v30 =	vmul.f32 v29, v32  }
0xe8: {  	v31 =	vsub.f32 $1.500000000e+00, v31;
	v33 =	vmul.f32 v20, v5;
	v34 =	vmul.f32 v20, v7  }
0xe9: {  	v30 =	vmul.f32 v30, v29;
	v35 =	vmul.f32 v20, v4  }
0xea: {  	v20 =	vmul.f32 v20, v6;
	v26 =	vmul.f32 v33, v26  }
0xeb: {  	v30 =	vsub.f32 $1.500000000e+00, v30;
	v23 =	vmul.f32 v35, v23;
	v28 =	vmul.f32 v34, v28  }
0xec: {  	v31 =	vmul.f32 v31, v13;
	v25 =	vmul.f32 v20, v25;
	v26 =	vadd.f32 v26, v9  }
0xed: {  	v13 =	vmul.f32 v27, v18;
	v23 =	vadd.f32 v23, v8  }
0xee: {  	v20 =	vmul.f32 v30, v29;
	v27 =	vmul.f32 v31, v7;
	[tilespmem:s29+$0x50] =	vst v26;
	v26 =	vadd.f32 v28, v11  }
.Ltmp2:
0xef: {  	v18 =	vmul.f32 v31, v4;
	v25 =	vadd.f32 v25, v10;
	v28 =	vmul.f32 v31, v5;
	[tilespmem:s29+$0x40] =	vst v23;
	(pc) =	sbr.rel @p1 .LBB2_7-.Ltmp2, $4  }
0xf0: {  	v29 =	vmul.f32 v13, v6;
	v30 =	vmul.f32 v27, v37;
	[tilespmem:s29+$0x70] =	vst v26  }
0xf1: {  	v27 =	vmul.f32 v31, v6;
	v23 =	vmul.f32 v20, v32;
	[tilespmem:s29+$0x60] =	vst v25  }
0xf2: {  	v26 =	vmul.f32 v29, v22;
	v25 =	vmul.f32 v28, v42  }
0xf3: {  	v27 =	vmul.f32 v27, v38;
	v29 =	vmul.f32 v13, v5;
	v28 =	vadd.f32 v30, v11;
	s29 =	sadd.s32 $0x100, s29  }
0xf4: {  	v22 =	vmul.f32 v23, v20;
	_ =	sdelay $0x1  }
0xf5: {  	v22 =	vsub.f32 $1.500000000e+00, v22  }
0xf6: {  	v12 =	vmul.f32 v18, v12;
	v52 =	vadd.f32 v26, v10  }
0xf7: {  	v53 =	vmul.f32 v13, v7;
	v57 =	vadd.f32 v25, v9;
	[tilespmem:s25+$0x30] =	vst v28;
	v54 =	vmul.f32 v22, v20  }
0xf8: {  	v55 =	vmul.f32 v13, v4;
	v50 =	vmul.f32 v29, v24;
	v51 =	vadd.f32 v27, v10;
	[tilespmem:s25+$0xFFFFFFA0] =	vst v52  }
0xf9: {  	v12 =	vadd.f32 v12, v8;
	v19 =	vmul.f32 v53, v19;
	[tilespmem:s25+$0x10] =	vst v57;
	v22 =	vmul.f32 v54, v6  }
0xfa: {  	v13 =	vmul.f32 v55, v21;
	[tilespmem:s25+$0x20] =	vst v51;
	v56 =	vadd.f32 v50, v9;
	v58 =	vmul.f32 v54, v5  }
0xfb: {  	[tilespmem:s25+$0x0] =	vst v12;
	v59 =	vadd.f32 v19, v11;
	v60 =	vmul.f32 v54, v4;
	v17 =	vmul.f32 v22, v17  }
0xfc: {  	v13 =	vadd.f32 v13, v8;
	[tilespmem:s25+$0xFFFFFF90] =	vst v56;
	v61 =	vmul.f32 v54, v7;
	v14 =	vmul.f32 v58, v14  }
0xfd: {  	[tilespmem:s25+$0xFFFFFFB0] =	vst v59;
	v15 =	vmul.f32 v60, v15;
	v17 =	vadd.f32 v17, v10  }
0xfe: {  	p1 =	sne.s32 s23, $0x32;
	[tilespmem:s25+$0xFFFFFF80] =	vst v13;
	v12 =	vmul.f32 v61, v16;
	v62 =	vadd.f32 v14, v9  }
.Ltmp3:
0xff: {  	v63 =	vadd.f32 v15, v8;
	[tilespmem:s25+$0xFFFFFFE0] =	vst v17;
	(pc) =	sbr.rel @p1 .LBB2_2-.Ltmp3, $4  }
0x100: {  	s24 =	sadd.s32 s8, s24;
	v12 =	vadd.f32 v12, v11;
	[tilespmem:s25+$0xFFFFFFD0] =	vst v62  }
0x101: {  	s24 =	sshrl.u32 s24, $0x3;
	[tilespmem:s25+$0xFFFFFFC0] =	vst v63  }
0x102: {  	p0 =	por !p0, !p0;
	s24 =	sadd.s32 s3, s24;
	[tilespmem:s25+$0xFFFFFFF0] =	vst v12;
	s25 =	smov.u32 s23  }
0x103: {  	[hbm4b:s24+s4] =	stream.linear.scatter [tilespmem:s26], [sflag:$0x2], $0x8000, $0x38;
	[tilespmem:$0x16480] =	vst v63  }
0x104: {  	s22 =	sadd.s32 $0x1, s22  }
0x105: {  	_ =	swait.ge [sflag:s21], $0x8000;
	p0 =	sne.s32 s22, s9  }
.Ltmp4:
0x106: {  	[sflag:s21] =	ssyncset.done $0x0;
	(pc) =	sbr.rel @p0 .LBB2_1-.Ltmp4, $4  }
0x107: {  	[sflag:s21] =	ssyncadd.s32 $0xFFFF8000  }
0x108: {  	_ =	swait.ge [sflag:s21], $0x8000  }
0x109: {  	[sflag:s21] =	ssyncset.done $0x0  }
0x10a: {  	[sflag:s21] =	ssyncadd.s32 $0xFFFF8000  }
0x10b: {  	_ =	sfence.sel $0x180000  }
0x10c: {  	[bflag:$0x0] =	sbarrier.arrive $0xFFFF  }
0x10d: {  	p0 =	sne.s32 s0, $0x0;
	_ =	strace $0x90000047  }
0x10e: {  	s0 =	sadd.s32 @!p0 $0x100000, s5;
	[bflag:$0x2] =	sbarrier.arrive $0xFFFF  }
0x10f: {  	[sflag:s0] =	ssyncadd.tile.s32 @!p0 $0x1;
	_ =	shalt  }
.Lfunc_end2:
_tile_overlayer_lowered:
.L_overlay_start_2:
0x110: {  	(tag) =	ssettag $0x2  }
0x111: {  	s0 =	rddreg [dreg:$0x0];
	s2 =	stileid.u32  }
0x112: {  	s1 =	rddreg [dreg:$0x1];
	p0 =	sne.s32 s2, $0x0  }
0x113: {  	s3 =	rddreg [dreg:$0x2];
	[bflag:$0x3] =	sbarrier.arrive $0xFFFF;
	s2 =	simm.s32 @!p0 $0x1C03  }
0x114: {  	[timem:s3], [sflag:s2] =	dma.local @!p0 [hbm:s0], s1  }
0x115: {  	s0 =	simm.s32 @!p0 $0x3  }
0x116: {  	_ =	swait.ge @!p0 [sflag:s0], s1  }
0x117: {  	s1 =	ssub.s32 @!p0 $0x0, s1;
	[sflag:s0] =	ssyncset.done @!p0 $0x0  }
0x118: {  	[sflag:s0] =	ssyncadd.s32 @!p0 s1  }
0x119: {  	[bflag:$0x3] =	sbarrier.arrive $0xFFFF  }
0x11a: {  	_ =	shalt  }

// kernel: sparse-core-data-format-call.cloned.1.call-start
scs
called_computation_lowered:
.L_overlay_start_0:
0x0: {  	s2 =	sld [smem:$0x3FD9]  }
0x1: {  	s3 =	sld [smem:$0x3FFE];
	_ =	sdelay $0x1  }
0x2: {  	s1 =	srdreg.scid  }
0x3: {  	s0 =	sand.u32 $0x1, s1  }
0x4: {  	s18 =	sshll.u32 s0, $0xA;
	s2 =	sadd.s32 s3, s2  }
0x5: {  	s2 =	sadd.s32 s2, s18  }
0x6: {  	[smem:$0x3FC4] =	sst s2  }
0x7: {  	_ = 	snop  }
0x8: {  	s2 =	sld [smem:$0x3FD0];
	(tm) =	ssettm $0x1  }
0x9: {  	s19 =	sld [smem:$0x3FFB];
	_ =	sdelay $0x3  }
0xa: {  	_ =	strace s19  }
0xb: {  	s3 =	sld [smem:$0x3FFC];
	_ =	sdelay $0x3  }
0xc: {  	_ =	strace s3  }
0xd: {  	s3 =	sld [smem:$0x3FFD];
	_ =	sdelay $0x3  }
0xe: {  	_ =	strace s3  }
0xf: {  	_ =	strace $0x8FFFFFFF  }
0x10: {  	s20 =	sld [smem:$0x3FDB];
	_ =	sdelay $0x1  }
0x11: {  	s4 =	simm.s32 $_scs_section_size  }
0x12: {  	s5 =	simm.s32 $_size__tile_overlayer_lowered;
	s6 =	simm.s32 $_tile_overlayer_lowered  }
0x13: {  	s23 =	simm.s32 $0x1BFF;
	s22 =	sshll.u32 s6, $0x1;
	s3 =	sadd.s32 s4, s20  }
0x14: {  	s7 =	simm.s32 $0x0;
	s21 =	sshll.u32 s5, $0x1;
	s5 =	sadd.s32 s22, s3  }
0x15: {  	[timem:s7], [sflag:s23] =	dma.local [hbm:s5], s21  }
0x16: {  	_ =	swait.ge [sflag:s23], s21  }
0x17: {  	s4 =	ssub.s32 $0x0, s21;
	[sflag:s23] =	ssyncset.done $0x0  }
0x18: {  	[sflag:s23] =	ssyncadd.s32 s4;
	_ =	sdelay $0x1  }
0x19: {  	s24 =	simm.s32 $0x1B8B  }
0x1a: {  	_ =	swait.ge [sflag:s24], $0x1  }
0x1b: {  	[sflag:s24] =	ssyncset.done $0x0  }
0x1c: {  	s26 =	simm.s32 $0x1B8E;
	s25 =	sld [smem:$0x3FFE];
	[sflag:s24] =	ssyncadd.s32 $0xFFFFFFFF  }
0x1d: {  	s27 =	simm.s32 $execute0_lowered;
	[smem:$0x3FD2] =	sst s26  }
0x1e: {  	s5 =	sshll.u32 s27, $0x1;
	_ =	strace $0x80000049;
	[dreg:$0x1] =	wrdreg $0xFFFFFFFF  }
0x1f: {  	s28 =	simm.s32 $_size_execute0_lowered;
	s3 =	sadd.s32 s3, s5;
	[dreg:$0x0] =	wrdreg $0x0  }
0x20: {  	s5 =	sshll.u32 s28, $0x1;
	[dreg:$0x2] =	wrdreg s3  }
0x21: {  	[dreg:$0x3] =	wrdreg s5  }
0x22: {  	[dreg:$0x4] =	wrdreg $0xC0  }
0x23: {  	_ =	task [dreg:s7], $0x5FFFF  }
0x24: {  	[dreg:$0x1] =	wrdreg $0xFFFFFFFF  }
0x25: {  	[dreg:$0x0] =	wrdreg $0x60  }
0x26: {  	[dreg:$0x2] =	wrdreg s25  }
0x27: {  	[dreg:$0x3] =	wrdreg s2  }
0x28: {  	[dreg:$0x4] =	wrdreg $0x9  }
0x29: {  	_ =	task.clear_ibuf [dreg:s7], $0x5FFFF;
	_ =	strace $0x90000049  }
0x2a: {  	s29 =	simm.s32 $0x9;
	_ =	strace $0x8000004B  }
0x2b: {  	_ =	swait.ge [sflag:s29], $0x1  }
0x2c: {  	[sflag:s29] =	ssyncadd.s32 $0xFFFFFFFF  }
0x2d: {  	_ =	strace $0x9000004B  }
0x2e: {  	_ =	sfence  }
0x2f: {  	s30 =	sld [smem:$0x0];
	_ =	sdelay $0x2  }
0x30: {  	s31 =	sshll.u32 s1, $0xD;
	s1 =	sshrl.u32 s1, $0x2  }
0x31: {  	s3 =	sand.u32 $0x4000, s31;
	s1 =	sadd.s32 s1, s30  }
0x32: {  	s0 =	sor.u32 s3, s0;
	s1 =	sshll.u32 s1, $0x11  }
0x33: {  	s0 =	sor.u32 s1, s0  }
0x34: {  	s0 =	sadd.s32 $0x8F2B, s0  }
0x35: {  	[sflag:s0] =	ssyncadd.remote.s32 $0x1  }
0x36: {  	_ =	sfence.sel $0xFFFF  }
0x37: {  	[dreg:$0x0] =	wrdreg $0xFFFFFFFF;
	(pc) =	sbr.abs _section_cstart, $3  }
0x38: {  	[dreg:$0x1] =	wrdreg $0xFFFFFFFF  }
0x39: {  	_ =	task.clear_ibuf [dreg:s7], $0x2FFFF;
	_ =	strace $0x9FFFFFFF  }
0x3a: {  	(tm) =	ssettm $0x7FFFFFFF  }
0x3b: {  	_ =	shalt  }
tec
execute0_lowered:
.L_overlay_start_1:
0x0: {  	(tag) =	ssettag $0x1  }
0x1: {  	s0 =	srdreg.scid  }
0x2: {  	s1 =	sshll.u32 s0, $0x4  }
0x3: {  	s0 =	stileid.u32;
	s1 =	sand.u32 $0x10, s1  }
0x4: {  	s1 =	sor.u32 s0, s1  }
0x5: {  	s6 =	rddreg [dreg:$0x0];
	s4 =	simm.s32 $0x1;
	s2 =	sshll.u32 s1, $0x7  }
0x6: {  	s7 =	simm.s32 $0x2;
	s12 =	simm.s32 $0x0;
	s1 =	ssub.s32 $0x1000, s2  }
0x7: {  	s8 =	simm.s32 $0x8000;
	s13 =	simm.s32 $0x0;
	s3 =	sand.u32 $0xF80, s1  }
0x8: {  	s9 =	simm.s32 $0x0;
	s5 =	sshrl.u32 s1, $0xC;
	p0 =	sne.s32 s3, $0x0  }
.Ltmp0:
0x9: {  	s1 =	rddreg [dreg:$0x2];
	s4 =	simm.s32 @!p0 $0x0;
	(pc) =	sbr.rel .LBB1_1-.Ltmp0, $4  }
0xa: {  	s11 =	simm.s32 $0x0;
	s3 =	rddreg [dreg:$0x1];
	s5 =	sadd.s32 s4, s5  }
0xb: {  	_ =	strace $0x8000004A;
	s4 =	simm.s32 $0x1;
	s5 =	smul.u32 $0xC8, s5  }
0xc: {  	s6 =	sadd.s32 $0xA00, s6;
	s10 =	smov.u32 s2;
	[sflag:s4] =	ssyncpa.u1 $0x0  }
0xd: {  	p0 =	por $0x0, $0x0;
	[sflag:s7] =	ssyncpa.u1 $0x0;
	s7 =	sor.u32 $0x1, s5  }
.LBB1_4:
0xe: {  	s16 =	sshll.u32 s13, $0x3;
	s17 =	sand.u32 $0x78, s13  }
0xf: {  	s30 =	sand.u32 $0x7E00, s13;
	s12 =	sshll.u32 s12, $0xF;
	s16 =	sand.u32 $0xC00, s16  }
0x10: {  	[tilespmem:s15+$0x810 ss:$0x81] =	vst.msk $0xffff, v2;
	s31 =	sand.u32 $0x7, s13;
	s16 =	sor.u32 s17, s16;
	s17 =	sadd.s32 s3, s30  }
0x11: {  	[tilespmem:s15+$0x1020 ss:$0x81] =	vst.msk $0xffff, v0;
	s13 =	sshll.u32 s31, $0x12;
	s12 =	sadd.s32 s12, s17;
	s16 =	sshrl.u32 s16, $0x3  }
0x12: {  	[tilespmem:s15+$0x0 ss:$0x81] =	vst.msk $0xffff, v1;
	s13 =	sor.u32 $0x400, s13;
	s12 =	sadd.s32 s16, s12  }
0x13: {  	[hbm4b:s12+s13] =	stream.strided.scatter [tilespmem:s14], [sflag:$0x2], $0x2000, s8, s13, $0x20;
	[tilespmem:$0x8080] =	vst v63  }
.LBB1_5:
0x14: {  	s14 =	sadd.s32 $0x1, s9  }
0x15: {  	s12 =	sadd.s32 $0x1000, s10;
	s16 =	smov.u32 s10;
	p2 =	sgt.s32 s14, $0xC7  }
0x16: {  	s16 =	smov.u32 @p2 s12  }
0x17: {  	s14 =	simm.s32 @p2 $0x0;
	p2 =	sgt.s32 s16, $0xFFF  }
0x18: {  	s16 =	smov.u32 @p2 s2;
	p2 =	sne.s32 s11, s7  }
.Ltmp1:
0x19: {  	p1 =	slt.u32 s11, $0x2;
	(pc) =	sbr.rel @!p2 .LBB1_6-.Ltmp1, $4  }
0x1a: {  	s15 =	simm.s32 @!p1 $0x2  }
0x1b: {  	s13 =	smov.u32 s10;
	p0 =	por !p0, !p0;
	_ =	swait.ge @!p1 [sflag:s15], $0x2000  }
0x1c: {  	s12 =	smov.u32 s9;
	[sflag:s15] =	ssyncset.done @!p1 $0x0;
	s9 =	smov.u32 s14  }
0x1d: {  	s11 =	sadd.s32 $0x1, s11;
	[sflag:s15] =	ssyncadd.s32 @!p1 $0xFFFFE000;
	s10 =	smov.u32 s16  }
.LBB1_1:
0x1e: {  	p1 =	sge.u32 s11, s5  }
0x1f: {  	s14 =	sand.u32 @!p1 $0x1FFFFFF, s9  }
0x20: {  	s15 =	smulhi.u32 @!p1 $0x147AE15, s14;
	_ =	sdelay $0x1  }
0x21: {  	s15 =	smul.u32 @!p1 $0xC8, s15  }
0x22: {  	s16 =	sxor.u32 @!p1 $0xFFFFFFFF, s11;
	s17 =	smul.u32 @!p1 $0xC80, s10  }
0x23: {  	s31 =	sadd.s32 $0xFFFFFFFF, s11;
	s16 =	sshll.u32 @!p1 s16, $0xD;
	s14 =	ssub.s32 @!p1 s14, s15  }
0x24: {  	s15 =	sand.u32 @!p1 $0x2000, s16;
	s16 =	sadd.s32 @!p1 s6, s17;
	s14 =	sshll.u32 @!p1 s14, $0x4  }
0x25: {  	s17 =	simm.s32 @!p1 $0x6400;
	s14 =	sadd.s32 @!p1 s14, s16;
	s16 =	simm.s32 @!p1 $0x40  }
0x26: {  	[tilespmem:s15], [sflag:$0x1] =	stream.strided.gather @!p1 [hbm4b:s14+s16], $0x2000, s17, s16, $0x38;
	[tilespmem:$0x8080] =	vst v63  }
0x27: {  	p1 =	sge.u32 s31, s5  }
.Ltmp2:
0x28: {  	_ = 	snop;
	(pc) =	sbr.rel @p1 .LBB1_5-.Ltmp2, $1  }
0x29: {  	_ =	sdelay $0x3  }
0x2a: {  	s14 =	simm.s32 $0x1  }
0x2b: {  	_ =	swait.ge [sflag:s4], $0x2000;
	s14 =	simm.s32 @!p0 $0x0  }
0x2c: {  	[sflag:s4] =	ssyncset.done $0x0;
	s15 =	sshll.u32 s14, $0xD  }
0x2d: {  	[sflag:s4] =	ssyncadd.s32 $0xFFFFE000;
	s18 =	sor.u32 $0x20, s15  }
0x2e: {  	s14 =	smul.u32 $0x8100, s14;
	v3 =	vld [tilespmem:s18+$0x10]  }
0x2f: {  	s30 =	sand.u32 $0x1, s11;
	v2 =	vld [tilespmem:s18+$0xFFFFFFF0]  }
0x30: {  	s15 =	smul.u32 $0x8100, s30;
	s14 =	sshrl.u32 s14, $0x2;
	v0 =	vld [tilespmem:s18+$0x0]  }
0x31: {  	v1 =	vld [tilespmem:s18+$0xFFFFFFE0];
	s16 =	sor.u32 $0x4000, s14  }
0x32: {  	s31 =	sshrl.u32 s15, $0x2;
	s15 =	sadd.s32 $0x0, s16  }
0x33: {  	s17 =	simm.s32 $0x4;
	s18 =	sadd.s32 $0x40, s18;
	s14 =	sor.u32 $0x4000, s31;
	[tilespmem:s15+$0x1830 ss:$0x81] =	vst.msk $0xffff, v3  }
.LBB1_3:
0x34: {  	v3 =	vld [tilespmem:s18+$0x10];
	p1 =	sne.s32 s17, $0x1FC;
	[tilespmem:s15+$0x810 ss:$0x81] =	vst.msk $0xffff, v2;
	s19 =	smov.u32 s17;
	s17 =	sadd.s32 $0x4, s17  }
.Ltmp3:
0x35: {  	v2 =	vld [tilespmem:s18+$0xFFFFFFF0];
	[tilespmem:s15+$0x1020 ss:$0x81] =	vst.msk $0xffff, v0;
	(pc) =	sbr.rel @p1 .LBB1_3-.Ltmp3, $4  }
0x36: {  	v0 =	vld [tilespmem:s18+$0x0];
	[tilespmem:s15+$0x0 ss:$0x81] =	vst.msk $0xffff, v1  }
0x37: {  	s15 =	sshra.s32 s19, $0x2;
	v1 =	vld [tilespmem:s18+$0xFFFFFFE0]  }
0x38: {  	s15 =	sadd.s32 s15, s16  }
0x39: {  	s18 =	sadd.s32 $0x40, s18;
	[tilespmem:s15+$0x1830 ss:$0x81] =	vst.msk $0xffff, v3  }
.Ltmp4:
0x3a: {  	_ = 	snop;
	(pc) =	sbr.rel .LBB1_4-.Ltmp4, $1  }
0x3b: {  	_ =	sdelay $0x3  }
.LBB1_6:
0x3c: {  	_ =	sfence.sel $0x180000  }
0x3d: {  	s2 =	simm.s32 $0x1;
	[bflag:$0x0] =	sbarrier.arrive $0xFFFF  }
0x3e: {  	s31 =	simm.s32 $0x2;
	[sflag:s2] =	ssyncpa.u1 $0x1  }
0x3f: {  	[sflag:s31] =	ssyncpa.u1 $0x1  }
0x40: {  	p0 =	sne.s32 s0, $0x0;
	_ =	strace $0x9000004A  }
0x41: {  	s0 =	sadd.s32 @!p0 $0x100000, s1;
	[bflag:$0x2] =	sbarrier.arrive $0xFFFF  }
0x42: {  	[sflag:s0] =	ssyncadd.tile.s32 @!p0 $0x1;
	_ =	shalt  }
.Lfunc_end1:
_tile_overlayer_lowered:
.L_overlay_start_2:
0x43: {  	(tag) =	ssettag $0x2  }
0x44: {  	s0 =	rddreg [dreg:$0x0];
	s2 =	stileid.u32  }
0x45: {  	s1 =	rddreg [dreg:$0x1];
	p0 =	sne.s32 s2, $0x0  }
0x46: {  	s3 =	rddreg [dreg:$0x2];
	[bflag:$0x3] =	sbarrier.arrive $0xFFFF;
	s2 =	simm.s32 @!p0 $0x1C01  }
0x47: {  	[timem:s3], [sflag:s2] =	dma.local @!p0 [hbm:s0], s1  }
0x48: {  	s0 =	simm.s32 @!p0 $0x1  }
0x49: {  	_ =	swait.ge @!p0 [sflag:s0], s1  }
0x4a: {  	s1 =	ssub.s32 @!p0 $0x0, s1;
	[sflag:s0] =	ssyncset.done @!p0 $0x0  }
0x4b: {  	[sflag:s0] =	ssyncadd.s32 @!p0 s1  }
0x4c: {  	[bflag:$0x3] =	sbarrier.arrive $0xFFFF  }
0x4d: {  	_ =	shalt  }

</sc_bundles>
